<compile_context>
chip_gen: v7x
topology: tpu7x:2x2x1
jax: 0.10.2.dev20260603
libtpu: 0.0.44.dev20260713+nightly
codegen_flags: <defaults>
</compile_context>

<pallas_src>
import functools

import jax
import jax.numpy as jnp
from jax import lax
from jax.experimental import pallas as pl
from jax.experimental.pallas import tpu as pltpu
from jax.experimental.pallas import tpu_sc as plsc

BLK = 256
NC, NS = 2, 16
NW = NC * NS
CH = 32
MASK_HI = -65536


def _pack_rows(a):
    h = a.shape[1] // 2
    hi = lax.bitcast_convert_type(
        a[:, :h].astype(jnp.bfloat16).astype(jnp.float32), jnp.int32)
    lo = lax.bitcast_convert_type(
        a[:, h:].astype(jnp.bfloat16).astype(jnp.float32), jnp.int32)
    return hi | lax.shift_right_logical(lo, 16)


def _unpack_rows(p):
    hi = lax.bitcast_convert_type(p & MASK_HI, jnp.float32)
    lo = lax.bitcast_convert_type(lax.shift_left(p, 16), jnp.float32)
    return jnp.concatenate([hi, lo], axis=1)


def _router_meta_body(x_ref, wr_ref, pos_ref, w01_ref, be_ref, aux_ref,
                      xb_ref, xi_ref, *, n_tokens, n_experts, nb_tot):
    x = x_ref[...]
    xb_ref[...] = x.astype(jnp.bfloat16).reshape(xb_ref.shape)
    xi_ref[...] = _pack_rows(x)

    logits = lax.dot_general(
        x, wr_ref[...], (((1,), (1,)), ((), ())),
        preferred_element_type=jnp.float32)

    e_iota = lax.broadcasted_iota(jnp.int32, logits.shape, 1)
    m1 = jnp.max(logits, axis=-1, keepdims=True)
    i1 = jnp.min(jnp.where(logits == m1, e_iota, n_experts), axis=-1,
                 keepdims=True)
    oh1 = (e_iota == i1).astype(jnp.float32)
    masked = jnp.where(e_iota == i1, -jnp.inf, logits)
    m2 = jnp.max(masked, axis=-1, keepdims=True)
    i2 = jnp.min(jnp.where(masked == m2, e_iota, n_experts), axis=-1,
                 keepdims=True)
    oh2 = (e_iota == i2).astype(jnp.float32)
    w2 = 1.0 / (1.0 + jnp.exp(m1 - m2))
    w1 = 1.0 - w2
    w01_ref[...] = jnp.concatenate([w1, w2], axis=1)

    cnt = oh1 + oh2
    c = cnt
    s = 1
    while s < n_tokens:
        c = c + jnp.concatenate(
            [jnp.zeros((s, n_experts), jnp.float32), c[:-s, :]], axis=0)
        s *= 2
    c_excl = c - cnt
    counts = c[n_tokens - 1:n_tokens, :]
    ci = counts.astype(jnp.int32)
    ca = ((ci + (BLK - 1)) // BLK) * BLK
    off = ca
    s = 1
    while s < n_experts:
        off = off + jnp.concatenate(
            [jnp.zeros((1, s), jnp.int32), off[:, :-s]], axis=1)
        s *= 2
    off_excl_f = (off - ca).astype(jnp.float32)

    slot = off_excl_f + c_excl
    p0 = jnp.sum(oh1 * slot, axis=1, keepdims=True)
    p1 = jnp.sum(oh2 * slot, axis=1, keepdims=True)
    pos_ref[...] = jnp.concatenate([p0, p1], axis=1).astype(jnp.int32)

    bstart = lax.broadcasted_iota(jnp.int32, (nb_tot, n_experts), 0) * BLK
    be_ref[...] = jnp.sum(
        (jnp.broadcast_to(off, (nb_tot, n_experts)) <= bstart
         ).astype(jnp.int32), axis=1, keepdims=True)

    z = jnp.exp(logits - m1)
    sc = z / jnp.sum(z, axis=-1, keepdims=True)
    pi_sum = jnp.sum(sc, axis=0, keepdims=True)
    aux_ref[...] = (jnp.sum(pi_sum * counts)
                    / float(n_tokens * n_tokens)).reshape(1, 1)


def _gmm_body(be_ref, xp_ref, w_ref, y_ref, wb_ref, *, n_experts):
    i = pl.program_id(0)
    be = be_ref[i]
    prev = be_ref[jnp.maximum(i - 1, 0)]

    @pl.when((be < n_experts) & ((i == 0) | (be != prev)))
    def _cast():
        wb_ref[...] = w_ref[0].astype(jnp.bfloat16)

    @pl.when(be < n_experts)
    def _():
        xb = _unpack_rows(xp_ref[...]).astype(jnp.bfloat16)
        acc = lax.dot_general(xb, wb_ref[...], (((1,), (1,)), ((), ())),
                              preferred_element_type=jnp.float32)
        y_ref[...] = _pack_rows(acc)


def _sharedfinal_body(xb_ref, ws_ref, y0_ref, y1_ref, w01_ref, out_ref,
                      wsb_ref):
    @pl.when(pl.program_id(0) == 0)
    def _cast():
        wsb_ref[...] = (ws_ref[0] + ws_ref[1]).astype(jnp.bfloat16)

    blk = out_ref.shape[0]
    d = out_ref.shape[1]
    xb = xb_ref[...].reshape(blk, d)
    acc = lax.dot_general(xb, wsb_ref[...], (((1,), (1,)), ((), ())),
                          preferred_element_type=jnp.float32)
    w01 = w01_ref[...]
    y0 = _unpack_rows(y0_ref[...])
    y1 = _unpack_rows(y1_ref[...])
    out_ref[...] = acc + w01[:, 0:1] * y0 + w01[:, 1:2] * y1


def _make_dispatch(n_tokens, d, nk_pad):
    tpw = n_tokens // NW
    nch = tpw // CH
    h = d // 2
    mesh = plsc.VectorSubcoreMesh(core_axis_name="c", subcore_axis_name="s")

    @functools.partial(
        pl.kernel, mesh=mesh,
        out_type=jax.ShapeDtypeStruct((nk_pad, h), jnp.int32),
        scratch_types=[
            pltpu.VMEM((nch, 2, CH), jnp.int32),
            pltpu.VMEM((CH, h), jnp.int32),
            pltpu.VMEM((CH, h), jnp.int32),
        ] + [pltpu.SemaphoreType.DMA] * 6,
    )
    def dispatch(x_hbm, pos_hbm, xp_hbm, idx_v, buf0, buf1,
                 sr0, sr1, sw00, sw01, sw10, sw11):
        wid = lax.axis_index("s") * NC + lax.axis_index("c")
        base = wid * tpw
        pltpu.sync_copy(pos_hbm.at[wid], idx_v)
        bufs = (buf0, buf1)
        sr = (sr0, sr1)
        sw = ((sw00, sw01), (sw10, sw11))
        reads = [None] * nch
        writes = [None] * nch
        reads[0] = pltpu.async_copy(x_hbm.at[pl.ds(base, CH)], bufs[0], sr[0])
        for c in range(nch):
            b = c % 2
            reads[c].wait()
            if c + 1 < nch:
                if c >= 1:
                    writes[c - 1][0].wait()
                    writes[c - 1][1].wait()
                reads[c + 1] = pltpu.async_copy(
                    x_hbm.at[pl.ds(base + (c + 1) * CH, CH)],
                    bufs[1 - b], sr[1 - b])
            writes[c] = (
                pltpu.async_copy(bufs[b], xp_hbm.at[idx_v.at[c, 0]], sw[b][0]),
                pltpu.async_copy(bufs[b], xp_hbm.at[idx_v.at[c, 1]], sw[b][1]))
        writes[nch - 1][0].wait()
        writes[nch - 1][1].wait()
        if nch >= 2:
            writes[nch - 2][0].wait()
            writes[nch - 2][1].wait()

    return dispatch


def _make_combine(n_tokens, d, nk_pad):
    tpw = n_tokens // NW
    nch = tpw // CH
    h = d // 2
    mesh = plsc.VectorSubcoreMesh(core_axis_name="c", subcore_axis_name="s")

    @functools.partial(
        pl.kernel, mesh=mesh,
        out_type=(jax.ShapeDtypeStruct((n_tokens, h), jnp.int32),
                  jax.ShapeDtypeStruct((n_tokens, h), jnp.int32)),
        scratch_types=[
            pltpu.VMEM((nch, 2 * CH), jnp.int32),
            pltpu.VMEM((2 * CH, h), jnp.int32),
            pltpu.VMEM((2 * CH, h), jnp.int32),
        ] + [pltpu.SemaphoreType.DMA] * 6,
    )
    def combine(y_hbm, pos_hbm, y0_hbm, y1_hbm, idx_v, gbuf0, gbuf1,
                sg0, sg1, sw00, sw01, sw10, sw11):
        wid = lax.axis_index("s") * NC + lax.axis_index("c")
        base = wid * tpw
        pltpu.sync_copy(pos_hbm.at[wid], idx_v)
        gbufs = (gbuf0, gbuf1)
        sg = (sg0, sg1)
        sw = ((sw00, sw01), (sw10, sw11))
        reads = [None] * nch
        writes = [None] * nch
        reads[0] = pltpu.async_copy(y_hbm.at[idx_v.at[0]], gbufs[0], sg[0])
        for c in range(nch):
            b = c % 2
            reads[c].wait()
            if c + 1 < nch:
                if c >= 1:
                    writes[c - 1][0].wait()
                    writes[c - 1][1].wait()
                reads[c + 1] = pltpu.async_copy(
                    y_hbm.at[idx_v.at[c + 1]], gbufs[1 - b], sg[1 - b])
            dst = pl.ds(base + c * CH, CH)
            writes[c] = (
                pltpu.async_copy(gbufs[b].at[pl.ds(0, CH)],
                                 y0_hbm.at[dst], sw[b][0]),
                pltpu.async_copy(gbufs[b].at[pl.ds(CH, CH)],
                                 y1_hbm.at[dst], sw[b][1]))
        writes[nch - 1][0].wait()
        writes[nch - 1][1].wait()
        if nch >= 2:
            writes[nch - 2][0].wait()
            writes[nch - 2][1].wait()

    return combine


def _router_meta(x, W_router, nb_tot):
    n_tokens, d = x.shape
    n_experts = W_router.shape[0]
    return pl.pallas_call(
        functools.partial(_router_meta_body, n_tokens=n_tokens,
                          n_experts=n_experts, nb_tot=nb_tot),
        out_shape=[
            jax.ShapeDtypeStruct((n_tokens, 2), jnp.int32),
            jax.ShapeDtypeStruct((n_tokens, 2), jnp.float32),
            jax.ShapeDtypeStruct((nb_tot, 1), jnp.int32),
            jax.ShapeDtypeStruct((1, 1), jnp.float32),
            jax.ShapeDtypeStruct((n_tokens, d // 128, 128), jnp.bfloat16),
            jax.ShapeDtypeStruct((n_tokens, d // 2), jnp.int32),
        ],
    )(x, W_router)


def _gmm(be, x_perm, we, n_experts, d):
    nb_tot = be.shape[0]
    h = d // 2
    grid_spec = pltpu.PrefetchScalarGridSpec(
        num_scalar_prefetch=1,
        grid=(nb_tot,),
        in_specs=[
            pl.BlockSpec((BLK, h), lambda i, be_r: (i, 0)),
            pl.BlockSpec((1, d, d),
                         lambda i, be_r: (jnp.minimum(be_r[i], n_experts - 1),
                                          0, 0)),
        ],
        out_specs=pl.BlockSpec((BLK, h), lambda i, be_r: (i, 0)),
        scratch_shapes=[pltpu.VMEM((d, d), jnp.bfloat16)],
    )
    return pl.pallas_call(
        functools.partial(_gmm_body, n_experts=n_experts),
        grid_spec=grid_spec,
        out_shape=jax.ShapeDtypeStruct((x_perm.shape[0], h), jnp.int32),
    )(be, x_perm, we)


def _sharedfinal(xb, ws, y0, y1, w01):
    n_tokens = xb.shape[0]
    d = xb.shape[1] * xb.shape[2]
    dsub = d // 128
    h = d // 2
    blk = 512
    return pl.pallas_call(
        _sharedfinal_body,
        grid=(n_tokens // blk,),
        in_specs=[
            pl.BlockSpec((blk, dsub, 128), lambda i: (i, 0, 0)),
            pl.BlockSpec((2, d, d), lambda i: (0, 0, 0)),
            pl.BlockSpec((blk, h), lambda i: (i, 0)),
            pl.BlockSpec((blk, h), lambda i: (i, 0)),
            pl.BlockSpec((blk, 2), lambda i: (i, 0)),
        ],
        out_specs=pl.BlockSpec((blk, d), lambda i: (i, 0)),
        out_shape=jax.ShapeDtypeStruct((n_tokens, d), jnp.float32),
        scratch_shapes=[pltpu.VMEM((d, d), jnp.bfloat16)],
    )(xb, ws, y0, y1, w01)


def kernel(feat, W_router, W_shared, W_experts):
    B, S, d = feat.shape
    N = B * S
    E = W_router.shape[0]
    topk = 2
    nb_tot = (N * topk) // BLK + E
    nk_pad = nb_tot * BLK

    x = feat.reshape(N, d)
    ws = W_shared.reshape(-1, d, d)

    pos, w01, be2d, aux, xb, xi = _router_meta(x, W_router, nb_tot)
    tpw = N // NW
    nch = tpw // CH
    pos_sc = pos.reshape(NW, nch, CH, 2).transpose(0, 1, 3, 2)
    pos_disp = pos_sc
    pos_comb = pos_sc.reshape(NW, nch, 2 * CH)
    be = be2d.reshape(nb_tot)

    x_perm = _make_dispatch(N, d, nk_pad)(xi, pos_disp)
    y = _gmm(be, x_perm, W_experts, E, d)
    y0, y1 = _make_combine(N, d, nk_pad)(y, pos_comb)
    out = _sharedfinal(xb, ws, y0, y1, w01)
    return out.reshape(B, S, d), aux[0, 0]

# --- scband reference (transcript-rebuilt; emitter-appended) ---
"""Pipeline reference for scband-mo-e-45603962749526 (READ-ONLY COPY).

The authoritative reference and input builder live on the scoring server;
editing this copy changes nothing except your own understanding.
"""

import jax, jax.numpy as jnp
import numpy as np

B = 2
S = 2048
HIDDEN = 1024
E = 8
TOPK = 2
SHARED = 2


def setup_inputs(seed: int = 0) -> dict:
    key = jax.random.key(seed)
    k1, k2, k3, k4 = jax.random.split(key, 4)
    feat = jax.random.normal(k1, (B, S, HIDDEN), dtype=jnp.float32)
    # nn.Linear(hidden_dim, num_experts, bias=False): weight [E, hidden]
    W_router = jax.random.normal(k2, (E, HIDDEN), dtype=jnp.float32) * 0.02
    # nn.Linear(hidden_dim, hidden_dim * num_shared_experts, bias=False): weight [hidden*SHARED, hidden]
    W_shared = jax.random.normal(k3, (HIDDEN * SHARED, HIDDEN), dtype=jnp.float32) * 0.02
    # per-expert nn.Linear(hidden_dim, hidden_dim, bias=False): weight [hidden, hidden]
    W_experts = jax.random.normal(k4, (E, HIDDEN, HIDDEN), dtype=jnp.float32) * 0.02
    return {"feat": feat, "W_router": W_router, "W_shared": W_shared, "W_experts": W_experts}


def reference(feat, W_router, W_shared, W_experts):
    batch, seq, dim = feat.shape
    flat_feat = feat.reshape(-1, dim)
    # router logits
    router_feat = flat_feat @ W_router.T  # [N, E]
    # shared experts
    shared_feats = (flat_feat @ W_shared.T).reshape(-1, SHARED, dim).sum(axis=-2)  # [N, d]
    # gate_topk with norm_probs=True: topk over logits, then softmax over the k logits
    topk_prob, topk_idx = jax.lax.top_k(router_feat, TOPK)  # [N, k]
    weights = jax.nn.softmax(topk_prob, axis=-1)  # [N, k]
    # balance loss (training, seq_level=False)
    scores = jax.nn.softmax(router_feat, axis=-1)  # [N, E]
    bin_count = jax.nn.one_hot(topk_idx.reshape(-1), E, dtype=jnp.float32)  # [N*k, E]
    fi = bin_count.sum(axis=0) / (batch * seq)
    pi = scores.mean(axis=0)
    aux_loss = (pi * fi).sum()
    # expert computation: dense all-expert apply then select (mathematically equal
    # to the masked per-expert loop in the torch training path)
    all_expert_out = jnp.einsum('nd,efd->nef', flat_feat, W_experts)  # [N, E, d]
    sel = jnp.take_along_axis(all_expert_out, topk_idx[:, :, None], axis=1)  # [N, k, d]
    weighted_feat = (weights[:, :, None] * sel).sum(axis=1)  # [N, d]
    out_feat = shared_feats + weighted_feat
    return (out_feat.reshape(batch, seq, dim), aux_loss)

if __name__ == "__main__":
    import jax
    _d = setup_inputs()
    print(jax.jit(kernel)(*tuple(_d.values())))

</pallas_src>

<mosaic_0001>
#map = affine_map<(d0, d1) -> (0, 0)>
#map1 = affine_map<(d0, d1) -> (0, 0, 0)>
module attributes {stable_mosaic.version = 14 : i64} {
  func.func @combine(%arg0: i32, %arg1: i32, %arg2: memref<10240x512xi32, #tpu.memory_space<hbm>>, %arg3: memref<32x4x64xi32, #tpu.memory_space<hbm>>, %arg4: memref<4096x512xi32, #tpu.memory_space<hbm>>, %arg5: memref<4096x512xi32, #tpu.memory_space<hbm>>, %arg6: memref<4x64xi32, #tpu.memory_space<vmem>>, %arg7: memref<64x512xi32, #tpu.memory_space<vmem>>, %arg8: memref<64x512xi32, #tpu.memory_space<vmem>>, %arg9: memref<!tpu.dma_semaphore, #tpu.memory_space<semaphore_mem>>, %arg10: memref<!tpu.dma_semaphore, #tpu.memory_space<semaphore_mem>>, %arg11: memref<!tpu.dma_semaphore, #tpu.memory_space<semaphore_mem>>, %arg12: memref<!tpu.dma_semaphore, #tpu.memory_space<semaphore_mem>>, %arg13: memref<!tpu.dma_semaphore, #tpu.memory_space<semaphore_mem>>, %arg14: memref<!tpu.dma_semaphore, #tpu.memory_space<semaphore_mem>>) attributes {dimension_semantics = [#tpu.dimension_semantics<core_parallel>, #tpu.dimension_semantics<subcore_parallel>], iteration_bounds = array<i64: 2, 16>, scalar_prefetch = 0 : i64, scratch_operands = 9 : i64, tpu.core_type = #tpu.core_type<sc_vector_subcore>, window_params = [{transform_indices = #map}, {transform_indices = #map1}, {transform_indices = #map}, {transform_indices = #map}]} {
    %mul3A = arith.constant 2 : i32
    %mul3A_0 = arith.muli %arg1, %mul3A : i32
    %add3A = arith.addi %mul3A_0, %arg0 : i32
    %mul3A_1 = arith.constant 128 : i32
    %mul3A_2 = arith.muli %add3A, %mul3A_1 : i32
    "tpu.region"() ({
      %run_scoped3A = tpu.sem_alloc : memref<!tpu.dma_semaphore, #tpu.memory_space<semaphore_mem>>
      %dma_start3A_225 = arith.constant 0 : i32
      %dma_start3A_226 = arith.constant 0 : i32
      %dma_start3A_227 = tpu.memref_slice %arg3[%add3A, %dma_start3A_225, %dma_start3A_226] : memref<32x4x64xi32, #tpu.memory_space<hbm>> -> memref<1x4x64xi32, #tpu.memory_space<hbm>>
      %dma_start3A_228 = tpu.memref_squeeze %dma_start3A_227 : memref<1x4x64xi32, #tpu.memory_space<hbm>> -> memref<4x64xi32, #tpu.memory_space<hbm>>
      %dma_start3A_229 = arith.constant 0 : i32
      %dma_start3A_230 = arith.constant 0 : i32
      %dma_start3A_231 = tpu.memref_slice %arg3[%add3A, %dma_start3A_229, %dma_start3A_230] : memref<32x4x64xi32, #tpu.memory_space<hbm>> -> memref<1x4x64xi32, #tpu.memory_space<hbm>>
      %dma_start3A_232 = tpu.memref_squeeze %dma_start3A_231 : memref<1x4x64xi32, #tpu.memory_space<hbm>> -> memref<4x64xi32, #tpu.memory_space<hbm>>
      tpu.enqueue_dma source(%dma_start3A_232 : memref<4x64xi32, #tpu.memory_space<hbm>>) target(%arg6 : memref<4x64xi32, #tpu.memory_space<vmem>>) target_semaphore(%run_scoped3A : memref<!tpu.dma_semaphore, #tpu.memory_space<semaphore_mem>>)
      %dma_wait3A_233 = arith.constant 0 : i32
      %dma_wait3A_234 = arith.constant 0 : i32
      %dma_wait3A_235 = tpu.memref_slice %arg3[%add3A, %dma_wait3A_233, %dma_wait3A_234] : memref<32x4x64xi32, #tpu.memory_space<hbm>> -> memref<1x4x64xi32, #tpu.memory_space<hbm>>
      %dma_wait3A_236 = tpu.memref_squeeze %dma_wait3A_235 : memref<1x4x64xi32, #tpu.memory_space<hbm>> -> memref<4x64xi32, #tpu.memory_space<hbm>>
      %dma_wait3A_237 = arith.constant 0 : i32
      %dma_wait3A_238 = arith.constant 0 : i32
      %dma_wait3A_239 = tpu.memref_slice %arg3[%add3A, %dma_wait3A_237, %dma_wait3A_238] : memref<32x4x64xi32, #tpu.memory_space<hbm>> -> memref<1x4x64xi32, #tpu.memory_space<hbm>>
      %dma_wait3A_240 = tpu.memref_squeeze %dma_wait3A_239 : memref<1x4x64xi32, #tpu.memory_space<hbm>> -> memref<4x64xi32, #tpu.memory_space<hbm>>
      tpu.wait_dma2 semaphore(%run_scoped3A : memref<!tpu.dma_semaphore, #tpu.memory_space<semaphore_mem>>) src(%dma_wait3A_240 : memref<4x64xi32, #tpu.memory_space<hbm>>) dst(%arg6 : memref<4x64xi32, #tpu.memory_space<vmem>>)
      tpu.yield
    }) : () -> ()
    %dma_start3A = arith.constant 0 : i32
    %dma_start3A_3 = arith.constant 0 : i32
    %dma_start3A_4 = tpu.memref_slice %arg6[%dma_start3A, %dma_start3A_3] : memref<4x64xi32, #tpu.memory_space<vmem>> -> memref<1x64xi32, #tpu.memory_space<vmem>>
    %dma_start3A_5 = tpu.memref_squeeze %dma_start3A_4 : memref<1x64xi32, #tpu.memory_space<vmem>> -> memref<64xi32, #tpu.memory_space<vmem>>
    %dma_start3A_6 = arith.constant 0 : i32
    %dma_start3A_7 = arith.constant 0 : i32
    %dma_start3A_8 = tpu.memref_slice %arg2[%dma_start3A_6, %dma_start3A_7] : memref<10240x512xi32, #tpu.memory_space<hbm>> -> memref<10240x512xi32, #tpu.memory_space<hbm>>
    tpu.enqueue_indirect_dma source(%dma_start3A_8 : memref<10240x512xi32, #tpu.memory_space<hbm>>) target(%arg7 : memref<64x512xi32, #tpu.memory_space<vmem>>) offsets(%dma_start3A_5 : memref<64xi32, #tpu.memory_space<vmem>>) semaphore(%arg9 : memref<!tpu.dma_semaphore, #tpu.memory_space<semaphore_mem>>)
    %dma_wait3A = arith.constant 0 : i32
    %dma_wait3A_9 = arith.constant 0 : i32
    %dma_wait3A_10 = tpu.memref_slice %arg6[%dma_wait3A, %dma_wait3A_9] : memref<4x64xi32, #tpu.memory_space<vmem>> -> memref<1x64xi32, #tpu.memory_space<vmem>>
    %dma_wait3A_11 = tpu.memref_squeeze %dma_wait3A_10 : memref<1x64xi32, #tpu.memory_space<vmem>> -> memref<64xi32, #tpu.memory_space<vmem>>
    %dma_wait3A_12 = arith.constant 0 : i32
    %dma_wait3A_13 = arith.constant 0 : i32
    %dma_wait3A_14 = tpu.memref_slice %arg2[%dma_wait3A_12, %dma_wait3A_13] : memref<10240x512xi32, #tpu.memory_space<hbm>> -> memref<10240x512xi32, #tpu.memory_space<hbm>>
    tpu.wait_indirect_dma semaphore(%arg9 : memref<!tpu.dma_semaphore, #tpu.memory_space<semaphore_mem>>) src(%dma_wait3A_14 : memref<10240x512xi32, #tpu.memory_space<hbm>>) dst(%arg7 : memref<64x512xi32, #tpu.memory_space<vmem>>)
    %dma_start3A_15 = arith.constant 1 : i32
    %dma_start3A_16 = arith.constant 0 : i32
    %dma_start3A_17 = tpu.memref_slice %arg6[%dma_start3A_15, %dma_start3A_16] : memref<4x64xi32, #tpu.memory_space<vmem>> -> memref<1x64xi32, #tpu.memory_space<vmem>>
    %dma_start3A_18 = tpu.memref_squeeze %dma_start3A_17 : memref<1x64xi32, #tpu.memory_space<vmem>> -> memref<64xi32, #tpu.memory_space<vmem>>
    %dma_start3A_19 = arith.constant 0 : i32
    %dma_start3A_20 = arith.constant 0 : i32
    %dma_start3A_21 = tpu.memref_slice %arg2[%dma_start3A_19, %dma_start3A_20] : memref<10240x512xi32, #tpu.memory_space<hbm>> -> memref<10240x512xi32, #tpu.memory_space<hbm>>
    tpu.enqueue_indirect_dma source(%dma_start3A_21 : memref<10240x512xi32, #tpu.memory_space<hbm>>) target(%arg8 : memref<64x512xi32, #tpu.memory_space<vmem>>) offsets(%dma_start3A_18 : memref<64xi32, #tpu.memory_space<vmem>>) semaphore(%arg10 : memref<!tpu.dma_semaphore, #tpu.memory_space<semaphore_mem>>)
    %add3A_22 = arith.constant 0 : i32
    %add3A_23 = arith.addi %mul3A_2, %add3A_22 : i32
    %dma_start3A_24 = arith.constant 0 : i32
    %dma_start3A_25 = arith.constant 0 : i32
    %dma_start3A_26 = tpu.memref_slice %arg7[%dma_start3A_24, %dma_start3A_25] : memref<64x512xi32, #tpu.memory_space<vmem>> -> memref<32x512xi32, #tpu.memory_space<vmem>>
    %dma_start3A_27 = arith.constant 0 : i32
    %dma_start3A_28 = tpu.memref_slice %arg4[%add3A_23, %dma_start3A_27] : memref<4096x512xi32, #tpu.memory_space<hbm>> -> memref<32x512xi32, #tpu.memory_space<hbm>>
    %dma_start3A_29 = arith.constant 0 : i32
    %dma_start3A_30 = tpu.memref_slice %arg4[%add3A_23, %dma_start3A_29] : memref<4096x512xi32, #tpu.memory_space<hbm>> -> memref<32x512xi32, #tpu.memory_space<hbm>>
    %dma_start3A_31 = arith.constant 0 : i32
    %dma_start3A_32 = arith.constant 0 : i32
    %dma_start3A_33 = tpu.memref_slice %arg7[%dma_start3A_31, %dma_start3A_32] : memref<64x512xi32, #tpu.memory_space<vmem>> -> memref<32x512xi32, #tpu.memory_space<vmem>>
    tpu.enqueue_dma source(%dma_start3A_33 : memref<32x512xi32, #tpu.memory_space<vmem>>) target(%dma_start3A_30 : memref<32x512xi32, #tpu.memory_space<hbm>>) target_semaphore(%arg11 : memref<!tpu.dma_semaphore, #tpu.memory_space<semaphore_mem>>)
    %dma_start3A_34 = arith.constant 32 : i32
    %dma_start3A_35 = arith.constant 0 : i32
    %dma_start3A_36 = tpu.memref_slice %arg7[%dma_start3A_34, %dma_start3A_35] : memref<64x512xi32, #tpu.memory_space<vmem>> -> memref<32x512xi32, #tpu.memory_space<vmem>>
    %dma_start3A_37 = arith.constant 0 : i32
    %dma_start3A_38 = tpu.memref_slice %arg5[%add3A_23, %dma_start3A_37] : memref<4096x512xi32, #tpu.memory_space<hbm>> -> memref<32x512xi32, #tpu.memory_space<hbm>>
    %dma_start3A_39 = arith.constant 0 : i32
    %dma_start3A_40 = tpu.memref_slice %arg5[%add3A_23, %dma_start3A_39] : memref<4096x512xi32, #tpu.memory_space<hbm>> -> memref<32x512xi32, #tpu.memory_space<hbm>>
    %dma_start3A_41 = arith.constant 32 : i32
    %dma_start3A_42 = arith.constant 0 : i32
    %dma_start3A_43 = tpu.memref_slice %arg7[%dma_start3A_41, %dma_start3A_42] : memref<64x512xi32, #tpu.memory_space<vmem>> -> memref<32x512xi32, #tpu.memory_space<vmem>>
    tpu.enqueue_dma source(%dma_start3A_43 : memref<32x512xi32, #tpu.memory_space<vmem>>) target(%dma_start3A_40 : memref<32x512xi32, #tpu.memory_space<hbm>>) target_semaphore(%arg12 : memref<!tpu.dma_semaphore, #tpu.memory_space<semaphore_mem>>)
    %dma_wait3A_44 = arith.constant 1 : i32
    %dma_wait3A_45 = arith.constant 0 : i32
    %dma_wait3A_46 = tpu.memref_slice %arg6[%dma_wait3A_44, %dma_wait3A_45] : memref<4x64xi32, #tpu.memory_space<vmem>> -> memref<1x64xi32, #tpu.memory_space<vmem>>
    %dma_wait3A_47 = tpu.memref_squeeze %dma_wait3A_46 : memref<1x64xi32, #tpu.memory_space<vmem>> -> memref<64xi32, #tpu.memory_space<vmem>>
    %dma_wait3A_48 = arith.constant 0 : i32
    %dma_wait3A_49 = arith.constant 0 : i32
    %dma_wait3A_50 = tpu.memref_slice %arg2[%dma_wait3A_48, %dma_wait3A_49] : memref<10240x512xi32, #tpu.memory_space<hbm>> -> memref<10240x512xi32, #tpu.memory_space<hbm>>
    tpu.wait_indirect_dma semaphore(%arg10 : memref<!tpu.dma_semaphore, #tpu.memory_space<semaphore_mem>>) src(%dma_wait3A_50 : memref<10240x512xi32, #tpu.memory_space<hbm>>) dst(%arg8 : memref<64x512xi32, #tpu.memory_space<vmem>>)
    %dma_wait3A_51 = arith.constant 0 : i32
    %dma_wait3A_52 = arith.constant 0 : i32
    %dma_wait3A_53 = tpu.memref_slice %arg7[%dma_wait3A_51, %dma_wait3A_52] : memref<64x512xi32, #tpu.memory_space<vmem>> -> memref<32x512xi32, #tpu.memory_space<vmem>>
    %dma_wait3A_54 = arith.constant 0 : i32
    %dma_wait3A_55 = tpu.memref_slice %arg4[%add3A_23, %dma_wait3A_54] : memref<4096x512xi32, #tpu.memory_space<hbm>> -> memref<32x512xi32, #tpu.memory_space<hbm>>
    %dma_wait3A_56 = arith.constant 0 : i32
    %dma_wait3A_57 = tpu.memref_slice %arg4[%add3A_23, %dma_wait3A_56] : memref<4096x512xi32, #tpu.memory_space<hbm>> -> memref<32x512xi32, #tpu.memory_space<hbm>>
    %dma_wait3A_58 = arith.constant 0 : i32
    %dma_wait3A_59 = arith.constant 0 : i32
    %dma_wait3A_60 = tpu.memref_slice %arg7[%dma_wait3A_58, %dma_wait3A_59] : memref<64x512xi32, #tpu.memory_space<vmem>> -> memref<32x512xi32, #tpu.memory_space<vmem>>
    tpu.wait_dma2 semaphore(%arg11 : memref<!tpu.dma_semaphore, #tpu.memory_space<semaphore_mem>>) src(%dma_wait3A_60 : memref<32x512xi32, #tpu.memory_space<vmem>>) dst(%dma_wait3A_57 : memref<32x512xi32, #tpu.memory_space<hbm>>)
    %dma_wait3A_61 = arith.constant 32 : i32
    %dma_wait3A_62 = arith.constant 0 : i32
    %dma_wait3A_63 = tpu.memref_slice %arg7[%dma_wait3A_61, %dma_wait3A_62] : memref<64x512xi32, #tpu.memory_space<vmem>> -> memref<32x512xi32, #tpu.memory_space<vmem>>
    %dma_wait3A_64 = arith.constant 0 : i32
    %dma_wait3A_65 = tpu.memref_slice %arg5[%add3A_23, %dma_wait3A_64] : memref<4096x512xi32, #tpu.memory_space<hbm>> -> memref<32x512xi32, #tpu.memory_space<hbm>>
    %dma_wait3A_66 = arith.constant 0 : i32
    %dma_wait3A_67 = tpu.memref_slice %arg5[%add3A_23, %dma_wait3A_66] : memref<4096x512xi32, #tpu.memory_space<hbm>> -> memref<32x512xi32, #tpu.memory_space<hbm>>
    %dma_wait3A_68 = arith.constant 32 : i32
    %dma_wait3A_69 = arith.constant 0 : i32
    %dma_wait3A_70 = tpu.memref_slice %arg7[%dma_wait3A_68, %dma_wait3A_69] : memref<64x512xi32, #tpu.memory_space<vmem>> -> memref<32x512xi32, #tpu.memory_space<vmem>>
    tpu.wait_dma2 semaphore(%arg12 : memref<!tpu.dma_semaphore, #tpu.memory_space<semaphore_mem>>) src(%dma_wait3A_70 : memref<32x512xi32, #tpu.memory_space<vmem>>) dst(%dma_wait3A_67 : memref<32x512xi32, #tpu.memory_space<hbm>>)
    %dma_start3A_71 = arith.constant 2 : i32
    %dma_start3A_72 = arith.constant 0 : i32
    %dma_start3A_73 = tpu.memref_slice %arg6[%dma_start3A_71, %dma_start3A_72] : memref<4x64xi32, #tpu.memory_space<vmem>> -> memref<1x64xi32, #tpu.memory_space<vmem>>
    %dma_start3A_74 = tpu.memref_squeeze %dma_start3A_73 : memref<1x64xi32, #tpu.memory_space<vmem>> -> memref<64xi32, #tpu.memory_space<vmem>>
    %dma_start3A_75 = arith.constant 0 : i32
    %dma_start3A_76 = arith.constant 0 : i32
    %dma_start3A_77 = tpu.memref_slice %arg2[%dma_start3A_75, %dma_start3A_76] : memref<10240x512xi32, #tpu.memory_space<hbm>> -> memref<10240x512xi32, #tpu.memory_space<hbm>>
    tpu.enqueue_indirect_dma source(%dma_start3A_77 : memref<10240x512xi32, #tpu.memory_space<hbm>>) target(%arg7 : memref<64x512xi32, #tpu.memory_space<vmem>>) offsets(%dma_start3A_74 : memref<64xi32, #tpu.memory_space<vmem>>) semaphore(%arg9 : memref<!tpu.dma_semaphore, #tpu.memory_space<semaphore_mem>>)
    %add3A_78 = arith.constant 32 : i32
    %add3A_79 = arith.addi %mul3A_2, %add3A_78 : i32
    %dma_start3A_80 = arith.constant 0 : i32
    %dma_start3A_81 = arith.constant 0 : i32
    %dma_start3A_82 = tpu.memref_slice %arg8[%dma_start3A_80, %dma_start3A_81] : memref<64x512xi32, #tpu.memory_space<vmem>> -> memref<32x512xi32, #tpu.memory_space<vmem>>
    %dma_start3A_83 = arith.constant 0 : i32
    %dma_start3A_84 = tpu.memref_slice %arg4[%add3A_79, %dma_start3A_83] : memref<4096x512xi32, #tpu.memory_space<hbm>> -> memref<32x512xi32, #tpu.memory_space<hbm>>
    %dma_start3A_85 = arith.constant 0 : i32
    %dma_start3A_86 = tpu.memref_slice %arg4[%add3A_79, %dma_start3A_85] : memref<4096x512xi32, #tpu.memory_space<hbm>> -> memref<32x512xi32, #tpu.memory_space<hbm>>
    %dma_start3A_87 = arith.constant 0 : i32
    %dma_start3A_88 = arith.constant 0 : i32
    %dma_start3A_89 = tpu.memref_slice %arg8[%dma_start3A_87, %dma_start3A_88] : memref<64x512xi32, #tpu.memory_space<vmem>> -> memref<32x512xi32, #tpu.memory_space<vmem>>
    tpu.enqueue_dma source(%dma_start3A_89 : memref<32x512xi32, #tpu.memory_space<vmem>>) target(%dma_start3A_86 : memref<32x512xi32, #tpu.memory_space<hbm>>) target_semaphore(%arg13 : memref<!tpu.dma_semaphore, #tpu.memory_space<semaphore_mem>>)
    %dma_start3A_90 = arith.constant 32 : i32
    %dma_start3A_91 = arith.constant 0 : i32
    %dma_start3A_92 = tpu.memref_slice %arg8[%dma_start3A_90, %dma_start3A_91] : memref<64x512xi32, #tpu.memory_space<vmem>> -> memref<32x512xi32, #tpu.memory_space<vmem>>
    %dma_start3A_93 = arith.constant 0 : i32
    %dma_start3A_94 = tpu.memref_slice %arg5[%add3A_79, %dma_start3A_93] : memref<4096x512xi32, #tpu.memory_space<hbm>> -> memref<32x512xi32, #tpu.memory_space<hbm>>
    %dma_start3A_95 = arith.constant 0 : i32
    %dma_start3A_96 = tpu.memref_slice %arg5[%add3A_79, %dma_start3A_95] : memref<4096x512xi32, #tpu.memory_space<hbm>> -> memref<32x512xi32, #tpu.memory_space<hbm>>
    %dma_start3A_97 = arith.constant 32 : i32
    %dma_start3A_98 = arith.constant 0 : i32
    %dma_start3A_99 = tpu.memref_slice %arg8[%dma_start3A_97, %dma_start3A_98] : memref<64x512xi32, #tpu.memory_space<vmem>> -> memref<32x512xi32, #tpu.memory_space<vmem>>
    tpu.enqueue_dma source(%dma_start3A_99 : memref<32x512xi32, #tpu.memory_space<vmem>>) target(%dma_start3A_96 : memref<32x512xi32, #tpu.memory_space<hbm>>) target_semaphore(%arg14 : memref<!tpu.dma_semaphore, #tpu.memory_space<semaphore_mem>>)
    %dma_wait3A_100 = arith.constant 2 : i32
    %dma_wait3A_101 = arith.constant 0 : i32
    %dma_wait3A_102 = tpu.memref_slice %arg6[%dma_wait3A_100, %dma_wait3A_101] : memref<4x64xi32, #tpu.memory_space<vmem>> -> memref<1x64xi32, #tpu.memory_space<vmem>>
    %dma_wait3A_103 = tpu.memref_squeeze %dma_wait3A_102 : memref<1x64xi32, #tpu.memory_space<vmem>> -> memref<64xi32, #tpu.memory_space<vmem>>
    %dma_wait3A_104 = arith.constant 0 : i32
    %dma_wait3A_105 = arith.constant 0 : i32
    %dma_wait3A_106 = tpu.memref_slice %arg2[%dma_wait3A_104, %dma_wait3A_105] : memref<10240x512xi32, #tpu.memory_space<hbm>> -> memref<10240x512xi32, #tpu.memory_space<hbm>>
    tpu.wait_indirect_dma semaphore(%arg9 : memref<!tpu.dma_semaphore, #tpu.memory_space<semaphore_mem>>) src(%dma_wait3A_106 : memref<10240x512xi32, #tpu.memory_space<hbm>>) dst(%arg7 : memref<64x512xi32, #tpu.memory_space<vmem>>)
    %dma_wait3A_107 = arith.constant 0 : i32
    %dma_wait3A_108 = arith.constant 0 : i32
    %dma_wait3A_109 = tpu.memref_slice %arg8[%dma_wait3A_107, %dma_wait3A_108] : memref<64x512xi32, #tpu.memory_space<vmem>> -> memref<32x512xi32, #tpu.memory_space<vmem>>
    %dma_wait3A_110 = arith.constant 0 : i32
    %dma_wait3A_111 = tpu.memref_slice %arg4[%add3A_79, %dma_wait3A_110] : memref<4096x512xi32, #tpu.memory_space<hbm>> -> memref<32x512xi32, #tpu.memory_space<hbm>>
    %dma_wait3A_112 = arith.constant 0 : i32
    %dma_wait3A_113 = tpu.memref_slice %arg4[%add3A_79, %dma_wait3A_112] : memref<4096x512xi32, #tpu.memory_space<hbm>> -> memref<32x512xi32, #tpu.memory_space<hbm>>
    %dma_wait3A_114 = arith.constant 0 : i32
    %dma_wait3A_115 = arith.constant 0 : i32
    %dma_wait3A_116 = tpu.memref_slice %arg8[%dma_wait3A_114, %dma_wait3A_115] : memref<64x512xi32, #tpu.memory_space<vmem>> -> memref<32x512xi32, #tpu.memory_space<vmem>>
    tpu.wait_dma2 semaphore(%arg13 : memref<!tpu.dma_semaphore, #tpu.memory_space<semaphore_mem>>) src(%dma_wait3A_116 : memref<32x512xi32, #tpu.memory_space<vmem>>) dst(%dma_wait3A_113 : memref<32x512xi32, #tpu.memory_space<hbm>>)
    %dma_wait3A_117 = arith.constant 32 : i32
    %dma_wait3A_118 = arith.constant 0 : i32
    %dma_wait3A_119 = tpu.memref_slice %arg8[%dma_wait3A_117, %dma_wait3A_118] : memref<64x512xi32, #tpu.memory_space<vmem>> -> memref<32x512xi32, #tpu.memory_space<vmem>>
    %dma_wait3A_120 = arith.constant 0 : i32
    %dma_wait3A_121 = tpu.memref_slice %arg5[%add3A_79, %dma_wait3A_120] : memref<4096x512xi32, #tpu.memory_space<hbm>> -> memref<32x512xi32, #tpu.memory_space<hbm>>
    %dma_wait3A_122 = arith.constant 0 : i32
    %dma_wait3A_123 = tpu.memref_slice %arg5[%add3A_79, %dma_wait3A_122] : memref<4096x512xi32, #tpu.memory_space<hbm>> -> memref<32x512xi32, #tpu.memory_space<hbm>>
    %dma_wait3A_124 = arith.constant 32 : i32
    %dma_wait3A_125 = arith.constant 0 : i32
    %dma_wait3A_126 = tpu.memref_slice %arg8[%dma_wait3A_124, %dma_wait3A_125] : memref<64x512xi32, #tpu.memory_space<vmem>> -> memref<32x512xi32, #tpu.memory_space<vmem>>
    tpu.wait_dma2 semaphore(%arg14 : memref<!tpu.dma_semaphore, #tpu.memory_space<semaphore_mem>>) src(%dma_wait3A_126 : memref<32x512xi32, #tpu.memory_space<vmem>>) dst(%dma_wait3A_123 : memref<32x512xi32, #tpu.memory_space<hbm>>)
    %dma_start3A_127 = arith.constant 3 : i32
    %dma_start3A_128 = arith.constant 0 : i32
    %dma_start3A_129 = tpu.memref_slice %arg6[%dma_start3A_127, %dma_start3A_128] : memref<4x64xi32, #tpu.memory_space<vmem>> -> memref<1x64xi32, #tpu.memory_space<vmem>>
    %dma_start3A_130 = tpu.memref_squeeze %dma_start3A_129 : memref<1x64xi32, #tpu.memory_space<vmem>> -> memref<64xi32, #tpu.memory_space<vmem>>
    %dma_start3A_131 = arith.constant 0 : i32
    %dma_start3A_132 = arith.constant 0 : i32
    %dma_start3A_133 = tpu.memref_slice %arg2[%dma_start3A_131, %dma_start3A_132] : memref<10240x512xi32, #tpu.memory_space<hbm>> -> memref<10240x512xi32, #tpu.memory_space<hbm>>
    tpu.enqueue_indirect_dma source(%dma_start3A_133 : memref<10240x512xi32, #tpu.memory_space<hbm>>) target(%arg8 : memref<64x512xi32, #tpu.memory_space<vmem>>) offsets(%dma_start3A_130 : memref<64xi32, #tpu.memory_space<vmem>>) semaphore(%arg10 : memref<!tpu.dma_semaphore, #tpu.memory_space<semaphore_mem>>)
    %add3A_134 = arith.constant 64 : i32
    %add3A_135 = arith.addi %mul3A_2, %add3A_134 : i32
    %dma_start3A_136 = arith.constant 0 : i32
    %dma_start3A_137 = arith.constant 0 : i32
    %dma_start3A_138 = tpu.memref_slice %arg7[%dma_start3A_136, %dma_start3A_137] : memref<64x512xi32, #tpu.memory_space<vmem>> -> memref<32x512xi32, #tpu.memory_space<vmem>>
    %dma_start3A_139 = arith.constant 0 : i32
    %dma_start3A_140 = tpu.memref_slice %arg4[%add3A_135, %dma_start3A_139] : memref<4096x512xi32, #tpu.memory_space<hbm>> -> memref<32x512xi32, #tpu.memory_space<hbm>>
    %dma_start3A_141 = arith.constant 0 : i32
    %dma_start3A_142 = tpu.memref_slice %arg4[%add3A_135, %dma_start3A_141] : memref<4096x512xi32, #tpu.memory_space<hbm>> -> memref<32x512xi32, #tpu.memory_space<hbm>>
    %dma_start3A_143 = arith.constant 0 : i32
    %dma_start3A_144 = arith.constant 0 : i32
    %dma_start3A_145 = tpu.memref_slice %arg7[%dma_start3A_143, %dma_start3A_144] : memref<64x512xi32, #tpu.memory_space<vmem>> -> memref<32x512xi32, #tpu.memory_space<vmem>>
    tpu.enqueue_dma source(%dma_start3A_145 : memref<32x512xi32, #tpu.memory_space<vmem>>) target(%dma_start3A_142 : memref<32x512xi32, #tpu.memory_space<hbm>>) target_semaphore(%arg11 : memref<!tpu.dma_semaphore, #tpu.memory_space<semaphore_mem>>)
    %dma_start3A_146 = arith.constant 32 : i32
    %dma_start3A_147 = arith.constant 0 : i32
    %dma_start3A_148 = tpu.memref_slice %arg7[%dma_start3A_146, %dma_start3A_147] : memref<64x512xi32, #tpu.memory_space<vmem>> -> memref<32x512xi32, #tpu.memory_space<vmem>>
    %dma_start3A_149 = arith.constant 0 : i32
    %dma_start3A_150 = tpu.memref_slice %arg5[%add3A_135, %dma_start3A_149] : memref<4096x512xi32, #tpu.memory_space<hbm>> -> memref<32x512xi32, #tpu.memory_space<hbm>>
    %dma_start3A_151 = arith.constant 0 : i32
    %dma_start3A_152 = tpu.memref_slice %arg5[%add3A_135, %dma_start3A_151] : memref<4096x512xi32, #tpu.memory_space<hbm>> -> memref<32x512xi32, #tpu.memory_space<hbm>>
    %dma_start3A_153 = arith.constant 32 : i32
    %dma_start3A_154 = arith.constant 0 : i32
    %dma_start3A_155 = tpu.memref_slice %arg7[%dma_start3A_153, %dma_start3A_154] : memref<64x512xi32, #tpu.memory_space<vmem>> -> memref<32x512xi32, #tpu.memory_space<vmem>>
    tpu.enqueue_dma source(%dma_start3A_155 : memref<32x512xi32, #tpu.memory_space<vmem>>) target(%dma_start3A_152 : memref<32x512xi32, #tpu.memory_space<hbm>>) target_semaphore(%arg12 : memref<!tpu.dma_semaphore, #tpu.memory_space<semaphore_mem>>)
    %dma_wait3A_156 = arith.constant 3 : i32
    %dma_wait3A_157 = arith.constant 0 : i32
    %dma_wait3A_158 = tpu.memref_slice %arg6[%dma_wait3A_156, %dma_wait3A_157] : memref<4x64xi32, #tpu.memory_space<vmem>> -> memref<1x64xi32, #tpu.memory_space<vmem>>
    %dma_wait3A_159 = tpu.memref_squeeze %dma_wait3A_158 : memref<1x64xi32, #tpu.memory_space<vmem>> -> memref<64xi32, #tpu.memory_space<vmem>>
    %dma_wait3A_160 = arith.constant 0 : i32
    %dma_wait3A_161 = arith.constant 0 : i32
    %dma_wait3A_162 = tpu.memref_slice %arg2[%dma_wait3A_160, %dma_wait3A_161] : memref<10240x512xi32, #tpu.memory_space<hbm>> -> memref<10240x512xi32, #tpu.memory_space<hbm>>
    tpu.wait_indirect_dma semaphore(%arg10 : memref<!tpu.dma_semaphore, #tpu.memory_space<semaphore_mem>>) src(%dma_wait3A_162 : memref<10240x512xi32, #tpu.memory_space<hbm>>) dst(%arg8 : memref<64x512xi32, #tpu.memory_space<vmem>>)
    %add3A_163 = arith.constant 96 : i32
    %add3A_164 = arith.addi %mul3A_2, %add3A_163 : i32
    %dma_start3A_165 = arith.constant 0 : i32
    %dma_start3A_166 = arith.constant 0 : i32
    %dma_start3A_167 = tpu.memref_slice %arg8[%dma_start3A_165, %dma_start3A_166] : memref<64x512xi32, #tpu.memory_space<vmem>> -> memref<32x512xi32, #tpu.memory_space<vmem>>
    %dma_start3A_168 = arith.constant 0 : i32
    %dma_start3A_169 = tpu.memref_slice %arg4[%add3A_164, %dma_start3A_168] : memref<4096x512xi32, #tpu.memory_space<hbm>> -> memref<32x512xi32, #tpu.memory_space<hbm>>
    %dma_start3A_170 = arith.constant 0 : i32
    %dma_start3A_171 = tpu.memref_slice %arg4[%add3A_164, %dma_start3A_170] : memref<4096x512xi32, #tpu.memory_space<hbm>> -> memref<32x512xi32, #tpu.memory_space<hbm>>
    %dma_start3A_172 = arith.constant 0 : i32
    %dma_start3A_173 = arith.constant 0 : i32
    %dma_start3A_174 = tpu.memref_slice %arg8[%dma_start3A_172, %dma_start3A_173] : memref<64x512xi32, #tpu.memory_space<vmem>> -> memref<32x512xi32, #tpu.memory_space<vmem>>
    tpu.enqueue_dma source(%dma_start3A_174 : memref<32x512xi32, #tpu.memory_space<vmem>>) target(%dma_start3A_171 : memref<32x512xi32, #tpu.memory_space<hbm>>) target_semaphore(%arg13 : memref<!tpu.dma_semaphore, #tpu.memory_space<semaphore_mem>>)
    %dma_start3A_175 = arith.constant 32 : i32
    %dma_start3A_176 = arith.constant 0 : i32
    %dma_start3A_177 = tpu.memref_slice %arg8[%dma_start3A_175, %dma_start3A_176] : memref<64x512xi32, #tpu.memory_space<vmem>> -> memref<32x512xi32, #tpu.memory_space<vmem>>
    %dma_start3A_178 = arith.constant 0 : i32
    %dma_start3A_179 = tpu.memref_slice %arg5[%add3A_164, %dma_start3A_178] : memref<4096x512xi32, #tpu.memory_space<hbm>> -> memref<32x512xi32, #tpu.memory_space<hbm>>
    %dma_start3A_180 = arith.constant 0 : i32
    %dma_start3A_181 = tpu.memref_slice %arg5[%add3A_164, %dma_start3A_180] : memref<4096x512xi32, #tpu.memory_space<hbm>> -> memref<32x512xi32, #tpu.memory_space<hbm>>
    %dma_start3A_182 = arith.constant 32 : i32
    %dma_start3A_183 = arith.constant 0 : i32
    %dma_start3A_184 = tpu.memref_slice %arg8[%dma_start3A_182, %dma_start3A_183] : memref<64x512xi32, #tpu.memory_space<vmem>> -> memref<32x512xi32, #tpu.memory_space<vmem>>
    tpu.enqueue_dma source(%dma_start3A_184 : memref<32x512xi32, #tpu.memory_space<vmem>>) target(%dma_start3A_181 : memref<32x512xi32, #tpu.memory_space<hbm>>) target_semaphore(%arg14 : memref<!tpu.dma_semaphore, #tpu.memory_space<semaphore_mem>>)
    %dma_wait3A_185 = arith.constant 0 : i32
    %dma_wait3A_186 = arith.constant 0 : i32
    %dma_wait3A_187 = tpu.memref_slice %arg8[%dma_wait3A_185, %dma_wait3A_186] : memref<64x512xi32, #tpu.memory_space<vmem>> -> memref<32x512xi32, #tpu.memory_space<vmem>>
    %dma_wait3A_188 = arith.constant 0 : i32
    %dma_wait3A_189 = tpu.memref_slice %arg4[%add3A_164, %dma_wait3A_188] : memref<4096x512xi32, #tpu.memory_space<hbm>> -> memref<32x512xi32, #tpu.memory_space<hbm>>
    %dma_wait3A_190 = arith.constant 0 : i32
    %dma_wait3A_191 = tpu.memref_slice %arg4[%add3A_164, %dma_wait3A_190] : memref<4096x512xi32, #tpu.memory_space<hbm>> -> memref<32x512xi32, #tpu.memory_space<hbm>>
    %dma_wait3A_192 = arith.constant 0 : i32
    %dma_wait3A_193 = arith.constant 0 : i32
    %dma_wait3A_194 = tpu.memref_slice %arg8[%dma_wait3A_192, %dma_wait3A_193] : memref<64x512xi32, #tpu.memory_space<vmem>> -> memref<32x512xi32, #tpu.memory_space<vmem>>
    tpu.wait_dma2 semaphore(%arg13 : memref<!tpu.dma_semaphore, #tpu.memory_space<semaphore_mem>>) src(%dma_wait3A_194 : memref<32x512xi32, #tpu.memory_space<vmem>>) dst(%dma_wait3A_191 : memref<32x512xi32, #tpu.memory_space<hbm>>)
    %dma_wait3A_195 = arith.constant 32 : i32
    %dma_wait3A_196 = arith.constant 0 : i32
    %dma_wait3A_197 = tpu.memref_slice %arg8[%dma_wait3A_195, %dma_wait3A_196] : memref<64x512xi32, #tpu.memory_space<vmem>> -> memref<32x512xi32, #tpu.memory_space<vmem>>
    %dma_wait3A_198 = arith.constant 0 : i32
    %dma_wait3A_199 = tpu.memref_slice %arg5[%add3A_164, %dma_wait3A_198] : memref<4096x512xi32, #tpu.memory_space<hbm>> -> memref<32x512xi32, #tpu.memory_space<hbm>>
    %dma_wait3A_200 = arith.constant 0 : i32
    %dma_wait3A_201 = tpu.memref_slice %arg5[%add3A_164, %dma_wait3A_200] : memref<4096x512xi32, #tpu.memory_space<hbm>> -> memref<32x512xi32, #tpu.memory_space<hbm>>
    %dma_wait3A_202 = arith.constant 32 : i32
    %dma_wait3A_203 = arith.constant 0 : i32
    %dma_wait3A_204 = tpu.memref_slice %arg8[%dma_wait3A_202, %dma_wait3A_203] : memref<64x512xi32, #tpu.memory_space<vmem>> -> memref<32x512xi32, #tpu.memory_space<vmem>>
    tpu.wait_dma2 semaphore(%arg14 : memref<!tpu.dma_semaphore, #tpu.memory_space<semaphore_mem>>) src(%dma_wait3A_204 : memref<32x512xi32, #tpu.memory_space<vmem>>) dst(%dma_wait3A_201 : memref<32x512xi32, #tpu.memory_space<hbm>>)
    %dma_wait3A_205 = arith.constant 0 : i32
    %dma_wait3A_206 = arith.constant 0 : i32
    %dma_wait3A_207 = tpu.memref_slice %arg7[%dma_wait3A_205, %dma_wait3A_206] : memref<64x512xi32, #tpu.memory_space<vmem>> -> memref<32x512xi32, #tpu.memory_space<vmem>>
    %dma_wait3A_208 = arith.constant 0 : i32
    %dma_wait3A_209 = tpu.memref_slice %arg4[%add3A_135, %dma_wait3A_208] : memref<4096x512xi32, #tpu.memory_space<hbm>> -> memref<32x512xi32, #tpu.memory_space<hbm>>
    %dma_wait3A_210 = arith.constant 0 : i32
    %dma_wait3A_211 = tpu.memref_slice %arg4[%add3A_135, %dma_wait3A_210] : memref<4096x512xi32, #tpu.memory_space<hbm>> -> memref<32x512xi32, #tpu.memory_space<hbm>>
    %dma_wait3A_212 = arith.constant 0 : i32
    %dma_wait3A_213 = arith.constant 0 : i32
    %dma_wait3A_214 = tpu.memref_slice %arg7[%dma_wait3A_212, %dma_wait3A_213] : memref<64x512xi32, #tpu.memory_space<vmem>> -> memref<32x512xi32, #tpu.memory_space<vmem>>
    tpu.wait_dma2 semaphore(%arg11 : memref<!tpu.dma_semaphore, #tpu.memory_space<semaphore_mem>>) src(%dma_wait3A_214 : memref<32x512xi32, #tpu.memory_space<vmem>>) dst(%dma_wait3A_211 : memref<32x512xi32, #tpu.memory_space<hbm>>)
    %dma_wait3A_215 = arith.constant 32 : i32
    %dma_wait3A_216 = arith.constant 0 : i32
    %dma_wait3A_217 = tpu.memref_slice %arg7[%dma_wait3A_215, %dma_wait3A_216] : memref<64x512xi32, #tpu.memory_space<vmem>> -> memref<32x512xi32, #tpu.memory_space<vmem>>
    %dma_wait3A_218 = arith.constant 0 : i32
    %dma_wait3A_219 = tpu.memref_slice %arg5[%add3A_135, %dma_wait3A_218] : memref<4096x512xi32, #tpu.memory_space<hbm>> -> memref<32x512xi32, #tpu.memory_space<hbm>>
    %dma_wait3A_220 = arith.constant 0 : i32
    %dma_wait3A_221 = tpu.memref_slice %arg5[%add3A_135, %dma_wait3A_220] : memref<4096x512xi32, #tpu.memory_space<hbm>> -> memref<32x512xi32, #tpu.memory_space<hbm>>
    %dma_wait3A_222 = arith.constant 32 : i32
    %dma_wait3A_223 = arith.constant 0 : i32
    %dma_wait3A_224 = tpu.memref_slice %arg7[%dma_wait3A_222, %dma_wait3A_223] : memref<64x512xi32, #tpu.memory_space<vmem>> -> memref<32x512xi32, #tpu.memory_space<vmem>>
    tpu.wait_dma2 semaphore(%arg12 : memref<!tpu.dma_semaphore, #tpu.memory_space<semaphore_mem>>) src(%dma_wait3A_224 : memref<32x512xi32, #tpu.memory_space<vmem>>) dst(%dma_wait3A_221 : memref<32x512xi32, #tpu.memory_space<hbm>>)
    return
  }
}

#map = affine_map<(d0, d1) -> (0, 0)>
#map1 = affine_map<(d0, d1) -> (0, 0, 0, 0)>
module attributes {stable_mosaic.version = 14 : i64} {
  func.func @dispatch(%arg0: i32, %arg1: i32, %arg2: memref<4096x512xi32, #tpu.memory_space<hbm>>, %arg3: memref<32x4x2x32xi32, #tpu.memory_space<hbm>>, %arg4: memref<10240x512xi32, #tpu.memory_space<hbm>>, %arg5: memref<4x2x32xi32, #tpu.memory_space<vmem>>, %arg6: memref<32x512xi32, #tpu.memory_space<vmem>>, %arg7: memref<32x512xi32, #tpu.memory_space<vmem>>, %arg8: memref<!tpu.dma_semaphore, #tpu.memory_space<semaphore_mem>>, %arg9: memref<!tpu.dma_semaphore, #tpu.memory_space<semaphore_mem>>, %arg10: memref<!tpu.dma_semaphore, #tpu.memory_space<semaphore_mem>>, %arg11: memref<!tpu.dma_semaphore, #tpu.memory_space<semaphore_mem>>, %arg12: memref<!tpu.dma_semaphore, #tpu.memory_space<semaphore_mem>>, %arg13: memref<!tpu.dma_semaphore, #tpu.memory_space<semaphore_mem>>) attributes {dimension_semantics = [#tpu.dimension_semantics<core_parallel>, #tpu.dimension_semantics<subcore_parallel>], iteration_bounds = array<i64: 2, 16>, scalar_prefetch = 0 : i64, scratch_operands = 9 : i64, tpu.core_type = #tpu.core_type<sc_vector_subcore>, window_params = [{transform_indices = #map}, {transform_indices = #map1}, {transform_indices = #map}]} {
    %mul3A = arith.constant 2 : i32
    %mul3A_0 = arith.muli %arg1, %mul3A : i32
    %add3A = arith.addi %mul3A_0, %arg0 : i32
    %mul3A_1 = arith.constant 128 : i32
    %mul3A_2 = arith.muli %add3A, %mul3A_1 : i32
    "tpu.region"() ({
      %run_scoped3A = tpu.sem_alloc : memref<!tpu.dma_semaphore, #tpu.memory_space<semaphore_mem>>
      %dma_start3A_167 = arith.constant 0 : i32
      %dma_start3A_168 = arith.constant 0 : i32
      %dma_start3A_169 = arith.constant 0 : i32
      %dma_start3A_170 = tpu.memref_slice %arg3[%add3A, %dma_start3A_167, %dma_start3A_168, %dma_start3A_169] : memref<32x4x2x32xi32, #tpu.memory_space<hbm>> -> memref<1x4x2x32xi32, #tpu.memory_space<hbm>>
      %dma_start3A_171 = tpu.memref_squeeze %dma_start3A_170 : memref<1x4x2x32xi32, #tpu.memory_space<hbm>> -> memref<4x2x32xi32, #tpu.memory_space<hbm>>
      %dma_start3A_172 = arith.constant 0 : i32
      %dma_start3A_173 = arith.constant 0 : i32
      %dma_start3A_174 = arith.constant 0 : i32
      %dma_start3A_175 = tpu.memref_slice %arg3[%add3A, %dma_start3A_172, %dma_start3A_173, %dma_start3A_174] : memref<32x4x2x32xi32, #tpu.memory_space<hbm>> -> memref<1x4x2x32xi32, #tpu.memory_space<hbm>>
      %dma_start3A_176 = tpu.memref_squeeze %dma_start3A_175 : memref<1x4x2x32xi32, #tpu.memory_space<hbm>> -> memref<4x2x32xi32, #tpu.memory_space<hbm>>
      tpu.enqueue_dma source(%dma_start3A_176 : memref<4x2x32xi32, #tpu.memory_space<hbm>>) target(%arg5 : memref<4x2x32xi32, #tpu.memory_space<vmem>>) target_semaphore(%run_scoped3A : memref<!tpu.dma_semaphore, #tpu.memory_space<semaphore_mem>>)
      %dma_wait3A_177 = arith.constant 0 : i32
      %dma_wait3A_178 = arith.constant 0 : i32
      %dma_wait3A_179 = arith.constant 0 : i32
      %dma_wait3A_180 = tpu.memref_slice %arg3[%add3A, %dma_wait3A_177, %dma_wait3A_178, %dma_wait3A_179] : memref<32x4x2x32xi32, #tpu.memory_space<hbm>> -> memref<1x4x2x32xi32, #tpu.memory_space<hbm>>
      %dma_wait3A_181 = tpu.memref_squeeze %dma_wait3A_180 : memref<1x4x2x32xi32, #tpu.memory_space<hbm>> -> memref<4x2x32xi32, #tpu.memory_space<hbm>>
      %dma_wait3A_182 = arith.constant 0 : i32
      %dma_wait3A_183 = arith.constant 0 : i32
      %dma_wait3A_184 = arith.constant 0 : i32
      %dma_wait3A_185 = tpu.memref_slice %arg3[%add3A, %dma_wait3A_182, %dma_wait3A_183, %dma_wait3A_184] : memref<32x4x2x32xi32, #tpu.memory_space<hbm>> -> memref<1x4x2x32xi32, #tpu.memory_space<hbm>>
      %dma_wait3A_186 = tpu.memref_squeeze %dma_wait3A_185 : memref<1x4x2x32xi32, #tpu.memory_space<hbm>> -> memref<4x2x32xi32, #tpu.memory_space<hbm>>
      tpu.wait_dma2 semaphore(%run_scoped3A : memref<!tpu.dma_semaphore, #tpu.memory_space<semaphore_mem>>) src(%dma_wait3A_186 : memref<4x2x32xi32, #tpu.memory_space<hbm>>) dst(%arg5 : memref<4x2x32xi32, #tpu.memory_space<vmem>>)
      tpu.yield
    }) : () -> ()
    %dma_start3A = arith.constant 0 : i32
    %dma_start3A_3 = tpu.memref_slice %arg2[%mul3A_2, %dma_start3A] : memref<4096x512xi32, #tpu.memory_space<hbm>> -> memref<32x512xi32, #tpu.memory_space<hbm>>
    %dma_start3A_4 = arith.constant 0 : i32
    %dma_start3A_5 = tpu.memref_slice %arg2[%mul3A_2, %dma_start3A_4] : memref<4096x512xi32, #tpu.memory_space<hbm>> -> memref<32x512xi32, #tpu.memory_space<hbm>>
    tpu.enqueue_dma source(%dma_start3A_5 : memref<32x512xi32, #tpu.memory_space<hbm>>) target(%arg6 : memref<32x512xi32, #tpu.memory_space<vmem>>) target_semaphore(%arg8 : memref<!tpu.dma_semaphore, #tpu.memory_space<semaphore_mem>>)
    %dma_wait3A = arith.constant 0 : i32
    %dma_wait3A_6 = tpu.memref_slice %arg2[%mul3A_2, %dma_wait3A] : memref<4096x512xi32, #tpu.memory_space<hbm>> -> memref<32x512xi32, #tpu.memory_space<hbm>>
    %dma_wait3A_7 = arith.constant 0 : i32
    %dma_wait3A_8 = tpu.memref_slice %arg2[%mul3A_2, %dma_wait3A_7] : memref<4096x512xi32, #tpu.memory_space<hbm>> -> memref<32x512xi32, #tpu.memory_space<hbm>>
    tpu.wait_dma2 semaphore(%arg8 : memref<!tpu.dma_semaphore, #tpu.memory_space<semaphore_mem>>) src(%dma_wait3A_8 : memref<32x512xi32, #tpu.memory_space<hbm>>) dst(%arg6 : memref<32x512xi32, #tpu.memory_space<vmem>>)
    %add3A_9 = arith.constant 32 : i32
    %add3A_10 = arith.addi %mul3A_2, %add3A_9 : i32
    %dma_start3A_11 = arith.constant 0 : i32
    %dma_start3A_12 = tpu.memref_slice %arg2[%add3A_10, %dma_start3A_11] : memref<4096x512xi32, #tpu.memory_space<hbm>> -> memref<32x512xi32, #tpu.memory_space<hbm>>
    %dma_start3A_13 = arith.constant 0 : i32
    %dma_start3A_14 = tpu.memref_slice %arg2[%add3A_10, %dma_start3A_13] : memref<4096x512xi32, #tpu.memory_space<hbm>> -> memref<32x512xi32, #tpu.memory_space<hbm>>
    tpu.enqueue_dma source(%dma_start3A_14 : memref<32x512xi32, #tpu.memory_space<hbm>>) target(%arg7 : memref<32x512xi32, #tpu.memory_space<vmem>>) target_semaphore(%arg9 : memref<!tpu.dma_semaphore, #tpu.memory_space<semaphore_mem>>)
    %dma_start3A_15 = arith.constant 0 : i32
    %dma_start3A_16 = arith.constant 0 : i32
    %dma_start3A_17 = arith.constant 0 : i32
    %dma_start3A_18 = tpu.memref_slice %arg5[%dma_start3A_15, %dma_start3A_16, %dma_start3A_17] : memref<4x2x32xi32, #tpu.memory_space<vmem>> -> memref<1x1x32xi32, #tpu.memory_space<vmem>>
    %dma_start3A_19 = tpu.memref_squeeze %dma_start3A_18 : memref<1x1x32xi32, #tpu.memory_space<vmem>> -> memref<32xi32, #tpu.memory_space<vmem>>
    %dma_start3A_20 = arith.constant 0 : i32
    %dma_start3A_21 = arith.constant 0 : i32
    %dma_start3A_22 = tpu.memref_slice %arg4[%dma_start3A_20, %dma_start3A_21] : memref<10240x512xi32, #tpu.memory_space<hbm>> -> memref<10240x512xi32, #tpu.memory_space<hbm>>
    tpu.enqueue_indirect_dma source(%arg6 : memref<32x512xi32, #tpu.memory_space<vmem>>) target(%dma_start3A_22 : memref<10240x512xi32, #tpu.memory_space<hbm>>) offsets(%dma_start3A_19 : memref<32xi32, #tpu.memory_space<vmem>>) semaphore(%arg10 : memref<!tpu.dma_semaphore, #tpu.memory_space<semaphore_mem>>)
    %dma_start3A_23 = arith.constant 0 : i32
    %dma_start3A_24 = arith.constant 1 : i32
    %dma_start3A_25 = arith.constant 0 : i32
    %dma_start3A_26 = tpu.memref_slice %arg5[%dma_start3A_23, %dma_start3A_24, %dma_start3A_25] : memref<4x2x32xi32, #tpu.memory_space<vmem>> -> memref<1x1x32xi32, #tpu.memory_space<vmem>>
    %dma_start3A_27 = tpu.memref_squeeze %dma_start3A_26 : memref<1x1x32xi32, #tpu.memory_space<vmem>> -> memref<32xi32, #tpu.memory_space<vmem>>
    %dma_start3A_28 = arith.constant 0 : i32
    %dma_start3A_29 = arith.constant 0 : i32
    %dma_start3A_30 = tpu.memref_slice %arg4[%dma_start3A_28, %dma_start3A_29] : memref<10240x512xi32, #tpu.memory_space<hbm>> -> memref<10240x512xi32, #tpu.memory_space<hbm>>
    tpu.enqueue_indirect_dma source(%arg6 : memref<32x512xi32, #tpu.memory_space<vmem>>) target(%dma_start3A_30 : memref<10240x512xi32, #tpu.memory_space<hbm>>) offsets(%dma_start3A_27 : memref<32xi32, #tpu.memory_space<vmem>>) semaphore(%arg11 : memref<!tpu.dma_semaphore, #tpu.memory_space<semaphore_mem>>)
    %dma_wait3A_31 = arith.constant 0 : i32
    %dma_wait3A_32 = tpu.memref_slice %arg2[%add3A_10, %dma_wait3A_31] : memref<4096x512xi32, #tpu.memory_space<hbm>> -> memref<32x512xi32, #tpu.memory_space<hbm>>
    %dma_wait3A_33 = arith.constant 0 : i32
    %dma_wait3A_34 = tpu.memref_slice %arg2[%add3A_10, %dma_wait3A_33] : memref<4096x512xi32, #tpu.memory_space<hbm>> -> memref<32x512xi32, #tpu.memory_space<hbm>>
    tpu.wait_dma2 semaphore(%arg9 : memref<!tpu.dma_semaphore, #tpu.memory_space<semaphore_mem>>) src(%dma_wait3A_34 : memref<32x512xi32, #tpu.memory_space<hbm>>) dst(%arg7 : memref<32x512xi32, #tpu.memory_space<vmem>>)
    %dma_wait3A_35 = arith.constant 0 : i32
    %dma_wait3A_36 = arith.constant 0 : i32
    %dma_wait3A_37 = arith.constant 0 : i32
    %dma_wait3A_38 = tpu.memref_slice %arg5[%dma_wait3A_35, %dma_wait3A_36, %dma_wait3A_37] : memref<4x2x32xi32, #tpu.memory_space<vmem>> -> memref<1x1x32xi32, #tpu.memory_space<vmem>>
    %dma_wait3A_39 = tpu.memref_squeeze %dma_wait3A_38 : memref<1x1x32xi32, #tpu.memory_space<vmem>> -> memref<32xi32, #tpu.memory_space<vmem>>
    %dma_wait3A_40 = arith.constant 0 : i32
    %dma_wait3A_41 = arith.constant 0 : i32
    %dma_wait3A_42 = tpu.memref_slice %arg4[%dma_wait3A_40, %dma_wait3A_41] : memref<10240x512xi32, #tpu.memory_space<hbm>> -> memref<10240x512xi32, #tpu.memory_space<hbm>>
    tpu.wait_indirect_dma semaphore(%arg10 : memref<!tpu.dma_semaphore, #tpu.memory_space<semaphore_mem>>) src(%arg6 : memref<32x512xi32, #tpu.memory_space<vmem>>) dst(%dma_wait3A_42 : memref<10240x512xi32, #tpu.memory_space<hbm>>)
    %dma_wait3A_43 = arith.constant 0 : i32
    %dma_wait3A_44 = arith.constant 1 : i32
    %dma_wait3A_45 = arith.constant 0 : i32
    %dma_wait3A_46 = tpu.memref_slice %arg5[%dma_wait3A_43, %dma_wait3A_44, %dma_wait3A_45] : memref<4x2x32xi32, #tpu.memory_space<vmem>> -> memref<1x1x32xi32, #tpu.memory_space<vmem>>
    %dma_wait3A_47 = tpu.memref_squeeze %dma_wait3A_46 : memref<1x1x32xi32, #tpu.memory_space<vmem>> -> memref<32xi32, #tpu.memory_space<vmem>>
    %dma_wait3A_48 = arith.constant 0 : i32
    %dma_wait3A_49 = arith.constant 0 : i32
    %dma_wait3A_50 = tpu.memref_slice %arg4[%dma_wait3A_48, %dma_wait3A_49] : memref<10240x512xi32, #tpu.memory_space<hbm>> -> memref<10240x512xi32, #tpu.memory_space<hbm>>
    tpu.wait_indirect_dma semaphore(%arg11 : memref<!tpu.dma_semaphore, #tpu.memory_space<semaphore_mem>>) src(%arg6 : memref<32x512xi32, #tpu.memory_space<vmem>>) dst(%dma_wait3A_50 : memref<10240x512xi32, #tpu.memory_space<hbm>>)
    %add3A_51 = arith.constant 64 : i32
    %add3A_52 = arith.addi %mul3A_2, %add3A_51 : i32
    %dma_start3A_53 = arith.constant 0 : i32
    %dma_start3A_54 = tpu.memref_slice %arg2[%add3A_52, %dma_start3A_53] : memref<4096x512xi32, #tpu.memory_space<hbm>> -> memref<32x512xi32, #tpu.memory_space<hbm>>
    %dma_start3A_55 = arith.constant 0 : i32
    %dma_start3A_56 = tpu.memref_slice %arg2[%add3A_52, %dma_start3A_55] : memref<4096x512xi32, #tpu.memory_space<hbm>> -> memref<32x512xi32, #tpu.memory_space<hbm>>
    tpu.enqueue_dma source(%dma_start3A_56 : memref<32x512xi32, #tpu.memory_space<hbm>>) target(%arg6 : memref<32x512xi32, #tpu.memory_space<vmem>>) target_semaphore(%arg8 : memref<!tpu.dma_semaphore, #tpu.memory_space<semaphore_mem>>)
    %dma_start3A_57 = arith.constant 1 : i32
    %dma_start3A_58 = arith.constant 0 : i32
    %dma_start3A_59 = arith.constant 0 : i32
    %dma_start3A_60 = tpu.memref_slice %arg5[%dma_start3A_57, %dma_start3A_58, %dma_start3A_59] : memref<4x2x32xi32, #tpu.memory_space<vmem>> -> memref<1x1x32xi32, #tpu.memory_space<vmem>>
    %dma_start3A_61 = tpu.memref_squeeze %dma_start3A_60 : memref<1x1x32xi32, #tpu.memory_space<vmem>> -> memref<32xi32, #tpu.memory_space<vmem>>
    %dma_start3A_62 = arith.constant 0 : i32
    %dma_start3A_63 = arith.constant 0 : i32
    %dma_start3A_64 = tpu.memref_slice %arg4[%dma_start3A_62, %dma_start3A_63] : memref<10240x512xi32, #tpu.memory_space<hbm>> -> memref<10240x512xi32, #tpu.memory_space<hbm>>
    tpu.enqueue_indirect_dma source(%arg7 : memref<32x512xi32, #tpu.memory_space<vmem>>) target(%dma_start3A_64 : memref<10240x512xi32, #tpu.memory_space<hbm>>) offsets(%dma_start3A_61 : memref<32xi32, #tpu.memory_space<vmem>>) semaphore(%arg12 : memref<!tpu.dma_semaphore, #tpu.memory_space<semaphore_mem>>)
    %dma_start3A_65 = arith.constant 1 : i32
    %dma_start3A_66 = arith.constant 1 : i32
    %dma_start3A_67 = arith.constant 0 : i32
    %dma_start3A_68 = tpu.memref_slice %arg5[%dma_start3A_65, %dma_start3A_66, %dma_start3A_67] : memref<4x2x32xi32, #tpu.memory_space<vmem>> -> memref<1x1x32xi32, #tpu.memory_space<vmem>>
    %dma_start3A_69 = tpu.memref_squeeze %dma_start3A_68 : memref<1x1x32xi32, #tpu.memory_space<vmem>> -> memref<32xi32, #tpu.memory_space<vmem>>
    %dma_start3A_70 = arith.constant 0 : i32
    %dma_start3A_71 = arith.constant 0 : i32
    %dma_start3A_72 = tpu.memref_slice %arg4[%dma_start3A_70, %dma_start3A_71] : memref<10240x512xi32, #tpu.memory_space<hbm>> -> memref<10240x512xi32, #tpu.memory_space<hbm>>
    tpu.enqueue_indirect_dma source(%arg7 : memref<32x512xi32, #tpu.memory_space<vmem>>) target(%dma_start3A_72 : memref<10240x512xi32, #tpu.memory_space<hbm>>) offsets(%dma_start3A_69 : memref<32xi32, #tpu.memory_space<vmem>>) semaphore(%arg13 : memref<!tpu.dma_semaphore, #tpu.memory_space<semaphore_mem>>)
    %dma_wait3A_73 = arith.constant 0 : i32
    %dma_wait3A_74 = tpu.memref_slice %arg2[%add3A_52, %dma_wait3A_73] : memref<4096x512xi32, #tpu.memory_space<hbm>> -> memref<32x512xi32, #tpu.memory_space<hbm>>
    %dma_wait3A_75 = arith.constant 0 : i32
    %dma_wait3A_76 = tpu.memref_slice %arg2[%add3A_52, %dma_wait3A_75] : memref<4096x512xi32, #tpu.memory_space<hbm>> -> memref<32x512xi32, #tpu.memory_space<hbm>>
    tpu.wait_dma2 semaphore(%arg8 : memref<!tpu.dma_semaphore, #tpu.memory_space<semaphore_mem>>) src(%dma_wait3A_76 : memref<32x512xi32, #tpu.memory_space<hbm>>) dst(%arg6 : memref<32x512xi32, #tpu.memory_space<vmem>>)
    %dma_wait3A_77 = arith.constant 1 : i32
    %dma_wait3A_78 = arith.constant 0 : i32
    %dma_wait3A_79 = arith.constant 0 : i32
    %dma_wait3A_80 = tpu.memref_slice %arg5[%dma_wait3A_77, %dma_wait3A_78, %dma_wait3A_79] : memref<4x2x32xi32, #tpu.memory_space<vmem>> -> memref<1x1x32xi32, #tpu.memory_space<vmem>>
    %dma_wait3A_81 = tpu.memref_squeeze %dma_wait3A_80 : memref<1x1x32xi32, #tpu.memory_space<vmem>> -> memref<32xi32, #tpu.memory_space<vmem>>
    %dma_wait3A_82 = arith.constant 0 : i32
    %dma_wait3A_83 = arith.constant 0 : i32
    %dma_wait3A_84 = tpu.memref_slice %arg4[%dma_wait3A_82, %dma_wait3A_83] : memref<10240x512xi32, #tpu.memory_space<hbm>> -> memref<10240x512xi32, #tpu.memory_space<hbm>>
    tpu.wait_indirect_dma semaphore(%arg12 : memref<!tpu.dma_semaphore, #tpu.memory_space<semaphore_mem>>) src(%arg7 : memref<32x512xi32, #tpu.memory_space<vmem>>) dst(%dma_wait3A_84 : memref<10240x512xi32, #tpu.memory_space<hbm>>)
    %dma_wait3A_85 = arith.constant 1 : i32
    %dma_wait3A_86 = arith.constant 1 : i32
    %dma_wait3A_87 = arith.constant 0 : i32
    %dma_wait3A_88 = tpu.memref_slice %arg5[%dma_wait3A_85, %dma_wait3A_86, %dma_wait3A_87] : memref<4x2x32xi32, #tpu.memory_space<vmem>> -> memref<1x1x32xi32, #tpu.memory_space<vmem>>
    %dma_wait3A_89 = tpu.memref_squeeze %dma_wait3A_88 : memref<1x1x32xi32, #tpu.memory_space<vmem>> -> memref<32xi32, #tpu.memory_space<vmem>>
    %dma_wait3A_90 = arith.constant 0 : i32
    %dma_wait3A_91 = arith.constant 0 : i32
    %dma_wait3A_92 = tpu.memref_slice %arg4[%dma_wait3A_90, %dma_wait3A_91] : memref<10240x512xi32, #tpu.memory_space<hbm>> -> memref<10240x512xi32, #tpu.memory_space<hbm>>
    tpu.wait_indirect_dma semaphore(%arg13 : memref<!tpu.dma_semaphore, #tpu.memory_space<semaphore_mem>>) src(%arg7 : memref<32x512xi32, #tpu.memory_space<vmem>>) dst(%dma_wait3A_92 : memref<10240x512xi32, #tpu.memory_space<hbm>>)
    %add3A_93 = arith.constant 96 : i32
    %add3A_94 = arith.addi %mul3A_2, %add3A_93 : i32
    %dma_start3A_95 = arith.constant 0 : i32
    %dma_start3A_96 = tpu.memref_slice %arg2[%add3A_94, %dma_start3A_95] : memref<4096x512xi32, #tpu.memory_space<hbm>> -> memref<32x512xi32, #tpu.memory_space<hbm>>
    %dma_start3A_97 = arith.constant 0 : i32
    %dma_start3A_98 = tpu.memref_slice %arg2[%add3A_94, %dma_start3A_97] : memref<4096x512xi32, #tpu.memory_space<hbm>> -> memref<32x512xi32, #tpu.memory_space<hbm>>
    tpu.enqueue_dma source(%dma_start3A_98 : memref<32x512xi32, #tpu.memory_space<hbm>>) target(%arg7 : memref<32x512xi32, #tpu.memory_space<vmem>>) target_semaphore(%arg9 : memref<!tpu.dma_semaphore, #tpu.memory_space<semaphore_mem>>)
    %dma_start3A_99 = arith.constant 2 : i32
    %dma_start3A_100 = arith.constant 0 : i32
    %dma_start3A_101 = arith.constant 0 : i32
    %dma_start3A_102 = tpu.memref_slice %arg5[%dma_start3A_99, %dma_start3A_100, %dma_start3A_101] : memref<4x2x32xi32, #tpu.memory_space<vmem>> -> memref<1x1x32xi32, #tpu.memory_space<vmem>>
    %dma_start3A_103 = tpu.memref_squeeze %dma_start3A_102 : memref<1x1x32xi32, #tpu.memory_space<vmem>> -> memref<32xi32, #tpu.memory_space<vmem>>
    %dma_start3A_104 = arith.constant 0 : i32
    %dma_start3A_105 = arith.constant 0 : i32
    %dma_start3A_106 = tpu.memref_slice %arg4[%dma_start3A_104, %dma_start3A_105] : memref<10240x512xi32, #tpu.memory_space<hbm>> -> memref<10240x512xi32, #tpu.memory_space<hbm>>
    tpu.enqueue_indirect_dma source(%arg6 : memref<32x512xi32, #tpu.memory_space<vmem>>) target(%dma_start3A_106 : memref<10240x512xi32, #tpu.memory_space<hbm>>) offsets(%dma_start3A_103 : memref<32xi32, #tpu.memory_space<vmem>>) semaphore(%arg10 : memref<!tpu.dma_semaphore, #tpu.memory_space<semaphore_mem>>)
    %dma_start3A_107 = arith.constant 2 : i32
    %dma_start3A_108 = arith.constant 1 : i32
    %dma_start3A_109 = arith.constant 0 : i32
    %dma_start3A_110 = tpu.memref_slice %arg5[%dma_start3A_107, %dma_start3A_108, %dma_start3A_109] : memref<4x2x32xi32, #tpu.memory_space<vmem>> -> memref<1x1x32xi32, #tpu.memory_space<vmem>>
    %dma_start3A_111 = tpu.memref_squeeze %dma_start3A_110 : memref<1x1x32xi32, #tpu.memory_space<vmem>> -> memref<32xi32, #tpu.memory_space<vmem>>
    %dma_start3A_112 = arith.constant 0 : i32
    %dma_start3A_113 = arith.constant 0 : i32
    %dma_start3A_114 = tpu.memref_slice %arg4[%dma_start3A_112, %dma_start3A_113] : memref<10240x512xi32, #tpu.memory_space<hbm>> -> memref<10240x512xi32, #tpu.memory_space<hbm>>
    tpu.enqueue_indirect_dma source(%arg6 : memref<32x512xi32, #tpu.memory_space<vmem>>) target(%dma_start3A_114 : memref<10240x512xi32, #tpu.memory_space<hbm>>) offsets(%dma_start3A_111 : memref<32xi32, #tpu.memory_space<vmem>>) semaphore(%arg11 : memref<!tpu.dma_semaphore, #tpu.memory_space<semaphore_mem>>)
    %dma_wait3A_115 = arith.constant 0 : i32
    %dma_wait3A_116 = tpu.memref_slice %arg2[%add3A_94, %dma_wait3A_115] : memref<4096x512xi32, #tpu.memory_space<hbm>> -> memref<32x512xi32, #tpu.memory_space<hbm>>
    %dma_wait3A_117 = arith.constant 0 : i32
    %dma_wait3A_118 = tpu.memref_slice %arg2[%add3A_94, %dma_wait3A_117] : memref<4096x512xi32, #tpu.memory_space<hbm>> -> memref<32x512xi32, #tpu.memory_space<hbm>>
    tpu.wait_dma2 semaphore(%arg9 : memref<!tpu.dma_semaphore, #tpu.memory_space<semaphore_mem>>) src(%dma_wait3A_118 : memref<32x512xi32, #tpu.memory_space<hbm>>) dst(%arg7 : memref<32x512xi32, #tpu.memory_space<vmem>>)
    %dma_start3A_119 = arith.constant 3 : i32
    %dma_start3A_120 = arith.constant 0 : i32
    %dma_start3A_121 = arith.constant 0 : i32
    %dma_start3A_122 = tpu.memref_slice %arg5[%dma_start3A_119, %dma_start3A_120, %dma_start3A_121] : memref<4x2x32xi32, #tpu.memory_space<vmem>> -> memref<1x1x32xi32, #tpu.memory_space<vmem>>
    %dma_start3A_123 = tpu.memref_squeeze %dma_start3A_122 : memref<1x1x32xi32, #tpu.memory_space<vmem>> -> memref<32xi32, #tpu.memory_space<vmem>>
    %dma_start3A_124 = arith.constant 0 : i32
    %dma_start3A_125 = arith.constant 0 : i32
    %dma_start3A_126 = tpu.memref_slice %arg4[%dma_start3A_124, %dma_start3A_125] : memref<10240x512xi32, #tpu.memory_space<hbm>> -> memref<10240x512xi32, #tpu.memory_space<hbm>>
    tpu.enqueue_indirect_dma source(%arg7 : memref<32x512xi32, #tpu.memory_space<vmem>>) target(%dma_start3A_126 : memref<10240x512xi32, #tpu.memory_space<hbm>>) offsets(%dma_start3A_123 : memref<32xi32, #tpu.memory_space<vmem>>) semaphore(%arg12 : memref<!tpu.dma_semaphore, #tpu.memory_space<semaphore_mem>>)
    %dma_start3A_127 = arith.constant 3 : i32
    %dma_start3A_128 = arith.constant 1 : i32
    %dma_start3A_129 = arith.constant 0 : i32
    %dma_start3A_130 = tpu.memref_slice %arg5[%dma_start3A_127, %dma_start3A_128, %dma_start3A_129] : memref<4x2x32xi32, #tpu.memory_space<vmem>> -> memref<1x1x32xi32, #tpu.memory_space<vmem>>
    %dma_start3A_131 = tpu.memref_squeeze %dma_start3A_130 : memref<1x1x32xi32, #tpu.memory_space<vmem>> -> memref<32xi32, #tpu.memory_space<vmem>>
    %dma_start3A_132 = arith.constant 0 : i32
    %dma_start3A_133 = arith.constant 0 : i32
    %dma_start3A_134 = tpu.memref_slice %arg4[%dma_start3A_132, %dma_start3A_133] : memref<10240x512xi32, #tpu.memory_space<hbm>> -> memref<10240x512xi32, #tpu.memory_space<hbm>>
    tpu.enqueue_indirect_dma source(%arg7 : memref<32x512xi32, #tpu.memory_space<vmem>>) target(%dma_start3A_134 : memref<10240x512xi32, #tpu.memory_space<hbm>>) offsets(%dma_start3A_131 : memref<32xi32, #tpu.memory_space<vmem>>) semaphore(%arg13 : memref<!tpu.dma_semaphore, #tpu.memory_space<semaphore_mem>>)
    %dma_wait3A_135 = arith.constant 3 : i32
    %dma_wait3A_136 = arith.constant 0 : i32
    %dma_wait3A_137 = arith.constant 0 : i32
    %dma_wait3A_138 = tpu.memref_slice %arg5[%dma_wait3A_135, %dma_wait3A_136, %dma_wait3A_137] : memref<4x2x32xi32, #tpu.memory_space<vmem>> -> memref<1x1x32xi32, #tpu.memory_space<vmem>>
    %dma_wait3A_139 = tpu.memref_squeeze %dma_wait3A_138 : memref<1x1x32xi32, #tpu.memory_space<vmem>> -> memref<32xi32, #tpu.memory_space<vmem>>
    %dma_wait3A_140 = arith.constant 0 : i32
    %dma_wait3A_141 = arith.constant 0 : i32
    %dma_wait3A_142 = tpu.memref_slice %arg4[%dma_wait3A_140, %dma_wait3A_141] : memref<10240x512xi32, #tpu.memory_space<hbm>> -> memref<10240x512xi32, #tpu.memory_space<hbm>>
    tpu.wait_indirect_dma semaphore(%arg12 : memref<!tpu.dma_semaphore, #tpu.memory_space<semaphore_mem>>) src(%arg7 : memref<32x512xi32, #tpu.memory_space<vmem>>) dst(%dma_wait3A_142 : memref<10240x512xi32, #tpu.memory_space<hbm>>)
    %dma_wait3A_143 = arith.constant 3 : i32
    %dma_wait3A_144 = arith.constant 1 : i32
    %dma_wait3A_145 = arith.constant 0 : i32
    %dma_wait3A_146 = tpu.memref_slice %arg5[%dma_wait3A_143, %dma_wait3A_144, %dma_wait3A_145] : memref<4x2x32xi32, #tpu.memory_space<vmem>> -> memref<1x1x32xi32, #tpu.memory_space<vmem>>
    %dma_wait3A_147 = tpu.memref_squeeze %dma_wait3A_146 : memref<1x1x32xi32, #tpu.memory_space<vmem>> -> memref<32xi32, #tpu.memory_space<vmem>>
    %dma_wait3A_148 = arith.constant 0 : i32
    %dma_wait3A_149 = arith.constant 0 : i32
    %dma_wait3A_150 = tpu.memref_slice %arg4[%dma_wait3A_148, %dma_wait3A_149] : memref<10240x512xi32, #tpu.memory_space<hbm>> -> memref<10240x512xi32, #tpu.memory_space<hbm>>
    tpu.wait_indirect_dma semaphore(%arg13 : memref<!tpu.dma_semaphore, #tpu.memory_space<semaphore_mem>>) src(%arg7 : memref<32x512xi32, #tpu.memory_space<vmem>>) dst(%dma_wait3A_150 : memref<10240x512xi32, #tpu.memory_space<hbm>>)
    %dma_wait3A_151 = arith.constant 2 : i32
    %dma_wait3A_152 = arith.constant 0 : i32
    %dma_wait3A_153 = arith.constant 0 : i32
    %dma_wait3A_154 = tpu.memref_slice %arg5[%dma_wait3A_151, %dma_wait3A_152, %dma_wait3A_153] : memref<4x2x32xi32, #tpu.memory_space<vmem>> -> memref<1x1x32xi32, #tpu.memory_space<vmem>>
    %dma_wait3A_155 = tpu.memref_squeeze %dma_wait3A_154 : memref<1x1x32xi32, #tpu.memory_space<vmem>> -> memref<32xi32, #tpu.memory_space<vmem>>
    %dma_wait3A_156 = arith.constant 0 : i32
    %dma_wait3A_157 = arith.constant 0 : i32
    %dma_wait3A_158 = tpu.memref_slice %arg4[%dma_wait3A_156, %dma_wait3A_157] : memref<10240x512xi32, #tpu.memory_space<hbm>> -> memref<10240x512xi32, #tpu.memory_space<hbm>>
    tpu.wait_indirect_dma semaphore(%arg10 : memref<!tpu.dma_semaphore, #tpu.memory_space<semaphore_mem>>) src(%arg6 : memref<32x512xi32, #tpu.memory_space<vmem>>) dst(%dma_wait3A_158 : memref<10240x512xi32, #tpu.memory_space<hbm>>)
    %dma_wait3A_159 = arith.constant 2 : i32
    %dma_wait3A_160 = arith.constant 1 : i32
    %dma_wait3A_161 = arith.constant 0 : i32
    %dma_wait3A_162 = tpu.memref_slice %arg5[%dma_wait3A_159, %dma_wait3A_160, %dma_wait3A_161] : memref<4x2x32xi32, #tpu.memory_space<vmem>> -> memref<1x1x32xi32, #tpu.memory_space<vmem>>
    %dma_wait3A_163 = tpu.memref_squeeze %dma_wait3A_162 : memref<1x1x32xi32, #tpu.memory_space<vmem>> -> memref<32xi32, #tpu.memory_space<vmem>>
    %dma_wait3A_164 = arith.constant 0 : i32
    %dma_wait3A_165 = arith.constant 0 : i32
    %dma_wait3A_166 = tpu.memref_slice %arg4[%dma_wait3A_164, %dma_wait3A_165] : memref<10240x512xi32, #tpu.memory_space<hbm>> -> memref<10240x512xi32, #tpu.memory_space<hbm>>
    tpu.wait_indirect_dma semaphore(%arg11 : memref<!tpu.dma_semaphore, #tpu.memory_space<semaphore_mem>>) src(%arg6 : memref<32x512xi32, #tpu.memory_space<vmem>>) dst(%dma_wait3A_166 : memref<10240x512xi32, #tpu.memory_space<hbm>>)
    return
  }
}

module attributes {stable_mosaic.version = 14 : i64} {
  func.func @_gmm_body(%arg0: i32, %arg1: memref<40xi32, #tpu.memory_space<smem>>, %arg2: memref<256x512xi32, #tpu.memory_space<vmem>>, %arg3: memref<1x1024x1024xf32, #tpu.memory_space<vmem>>, %arg4: memref<256x512xi32, #tpu.memory_space<vmem>>, %arg5: memref<1024x1024xbf16, #tpu.memory_space<vmem>>) attributes {dimension_semantics = [#tpu.dimension_semantics<arbitrary>], iteration_bounds = array<i64: 40>, scalar_prefetch = 1 : i64, scratch_operands = 1 : i64, tpu.core_type = #tpu.core_type<tc>, window_params = [{transform_indices = @transform_0, window_bounds = array<i64: 256, 512>}, {transform_indices = @transform_1, window_bounds = array<i64: 1, 1024, 1024>}, {transform_indices = @transform_2, window_bounds = array<i64: 256, 512>}]} {
    %get3A = arith.index_cast %arg0 : i32 to index
    %get3A_0 = memref.load %arg1[%get3A] : memref<40xi32, #tpu.memory_space<smem>>
    %sub3A = arith.constant 1 : i32
    %sub3A_1 = arith.subi %arg0, %sub3A : i32
    %max3A = arith.constant 0 : i32
    %max3A_2 = arith.maxsi %sub3A_1, %max3A : i32
    %get3A_3 = arith.index_cast %max3A_2 : i32 to index
    %get3A_4 = memref.load %arg1[%get3A_3] : memref<40xi32, #tpu.memory_space<smem>>
    %lt3A = arith.constant 8 : i32
    %lt3A_5 = arith.cmpi slt, %get3A_0, %lt3A : i32
    %eq3A = arith.constant 0 : i32
    %eq3A_6 = arith.cmpi eq, %arg0, %eq3A : i32
    %ne3A = arith.cmpi ne, %get3A_0, %get3A_4 : i32
    %or3A = arith.ori %eq3A_6, %ne3A : i1
    %and3A = arith.andi %lt3A_5, %or3A : i1
    %convert_element_type3A = arith.extui %and3A : i1 to i32
    %cond3A = arith.constant 0 : i32
    %cond3A_7 = arith.cmpi ne, %convert_element_type3A, %cond3A : i32
    scf.if %cond3A_7 {
      %get3A_13 = arith.constant 0 : index
      %get3A_14 = arith.constant 0 : index
      %get3A_15 = arith.constant 0 : index
      %get3A_16 = vector.load %arg3[%get3A_13, %get3A_14, %get3A_15] : memref<1x1024x1024xf32, #tpu.memory_space<vmem>>, vector<1x1024x1024xf32>
      %get3A_17 = vector.shape_cast %get3A_16 : vector<1x1024x1024xf32> to vector<1024x1024xf32>
      %convert_element_type3A_18 = arith.truncf %get3A_17 : vector<1024x1024xf32> to vector<1024x1024xbf16>
      %swap3A = arith.constant 0 : index
      %swap3A_19 = arith.constant 0 : index
      %swap3A_20 = vector.load %arg5[%swap3A, %swap3A_19] : memref<1024x1024xbf16, #tpu.memory_space<vmem>>, vector<1024x1024xbf16>
      tpu.vector_store %arg5[%swap3A, %swap3A_19], %convert_element_type3A_18 {strides = array<i32>} : memref<1024x1024xbf16, #tpu.memory_space<vmem>>, vector<1024x1024xbf16>,
    } else {
    }
    %lt3A_8 = arith.constant 8 : i32
    %lt3A_9 = arith.cmpi slt, %get3A_0, %lt3A_8 : i32
    %convert_element_type3A_10 = arith.extui %lt3A_9 : i1 to i32
    %cond3A_11 = arith.constant 0 : i32
    %cond3A_12 = arith.cmpi ne, %convert_element_type3A_10, %cond3A_11 : i32
    scf.if %cond3A_12 {
      %get3A_13 = arith.constant 0 : index
      %get3A_14 = arith.constant 0 : index
      %get3A_15 = vector.load %arg2[%get3A_13, %get3A_14] : memref<256x512xi32, #tpu.memory_space<vmem>>, vector<256x512xi32>
      %and3A_16 = arith.constant -65536 : i32
      %and3A_17 = vector.broadcast %and3A_16 : i32 to vector<256x512xi32>
      %and3A_18 = arith.andi %get3A_15, %and3A_17 : vector<256x512xi32>
      %bitcast_convert_type3A = tpu.bitcast %and3A_18 : vector<256x512xi32> -> vector<256x512xf32>
      %shift_left3A = arith.constant 16 : i32
      %shift_left3A_19 = vector.broadcast %shift_left3A : i32 to vector<256x512xi32>
      %shift_left3A_20 = arith.shli %get3A_15, %shift_left3A_19 : vector<256x512xi32>
      %bitcast_convert_type3A_21 = tpu.bitcast %shift_left3A_20 : vector<256x512xi32> -> vector<256x512xf32>
      %concatenate3A = tpu.concatenate %bitcast_convert_type3A, %bitcast_convert_type3A_21 in 1 : vector<256x512xf32>, vector<256x512xf32> -> vector<256x1024xf32>
      %convert_element_type3A_22 = arith.truncf %concatenate3A : vector<256x1024xf32> to vector<256x1024xbf16>
      %get3A_23 = arith.constant 0 : index
      %get3A_24 = arith.constant 0 : index
      %get3A_25 = vector.load %arg5[%get3A_23, %get3A_24] : memref<1024x1024xbf16, #tpu.memory_space<vmem>>, vector<1024x1024xbf16>
      %dot_general3A = arith.constant dense<0.000000e+00> : vector<256x1024xf32>
      %dot_general3A_26 = tpu.matmul %convert_element_type3A_22, %get3A_25, %dot_general3A {dimension_numbers = #tpu.dot_dimension_numbers<[1], [1], [0], [0], [0, 0, 1, 0], [], []>, transpose_lhs_hint = false} : vector<256x1024xbf16>, vector<1024x1024xbf16>, vector<256x1024xf32> -> vector<256x1024xf32>
      %slice3A = vector.extract_strided_slice %dot_general3A_26 {offsets = [0, 0], sizes = [256, 512], strides = [1, 1]} : vector<256x1024xf32> to vector<256x512xf32>
      %convert_element_type3A_27 = arith.truncf %slice3A : vector<256x512xf32> to vector<256x512xbf16>
      %convert_element_type3A_28 = arith.extf %convert_element_type3A_27 : vector<256x512xbf16> to vector<256x512xf32>
      %bitcast_convert_type3A_29 = tpu.bitcast %convert_element_type3A_28 : vector<256x512xf32> -> vector<256x512xi32>
      %slice3A_30 = vector.extract_strided_slice %dot_general3A_26 {offsets = [0, 512], sizes = [256, 512], strides = [1, 1]} : vector<256x1024xf32> to vector<256x512xf32>
      %convert_element_type3A_31 = arith.truncf %slice3A_30 : vector<256x512xf32> to vector<256x512xbf16>
      %convert_element_type3A_32 = arith.extf %convert_element_type3A_31 : vector<256x512xbf16> to vector<256x512xf32>
      %bitcast_convert_type3A_33 = tpu.bitcast %convert_element_type3A_32 : vector<256x512xf32> -> vector<256x512xi32>
      %shift_right_logical3A = arith.constant 16 : i32
      %shift_right_logical3A_34 = vector.broadcast %shift_right_logical3A : i32 to vector<256x512xi32>
      %shift_right_logical3A_35 = arith.shrui %bitcast_convert_type3A_33, %shift_right_logical3A_34 : vector<256x512xi32>
      %or3A_36 = arith.ori %bitcast_convert_type3A_29, %shift_right_logical3A_35 : vector<256x512xi32>
      %swap3A = arith.constant 0 : index
      %swap3A_37 = arith.constant 0 : index
      %swap3A_38 = vector.load %arg4[%swap3A, %swap3A_37] : memref<256x512xi32, #tpu.memory_space<vmem>>, vector<256x512xi32>
      tpu.vector_store %arg4[%swap3A, %swap3A_37], %or3A_36 {strides = array<i32>} : memref<256x512xi32, #tpu.memory_space<vmem>>, vector<256x512xi32>,
    } else {
    }
    return
  }
  func.func @transform_0(%arg0: i32, %arg1: memref<40xi32, #tpu.memory_space<smem>>) -> (i32, i32) {
    %c0_i32 = arith.constant 0 : i32
    %c0_i32_0 = arith.constant 0 : i32
    return %arg0, %c0_i32 : i32, i32
  }
  func.func @transform_1(%arg0: i32, %arg1: memref<40xi32, #tpu.memory_space<smem>>) -> (i32, i32, i32) {
    %get3A = arith.index_cast %arg0 : i32 to index
    %get3A_0 = memref.load %arg1[%get3A] : memref<40xi32, #tpu.memory_space<smem>>
    %min3A = arith.constant 7 : i32
    %min3A_1 = arith.minsi %get3A_0, %min3A : i32
    %c0_i32 = arith.constant 0 : i32
    %c0_i32_2 = arith.constant 0 : i32
    %c0_i32_3 = arith.constant 0 : i32
    return %min3A_1, %c0_i32, %c0_i32_2 : i32, i32, i32
  }
  func.func @transform_2(%arg0: i32, %arg1: memref<40xi32, #tpu.memory_space<smem>>) -> (i32, i32) {
    %c0_i32 = arith.constant 0 : i32
    %c0_i32_0 = arith.constant 0 : i32
    return %arg0, %c0_i32 : i32, i32
  }
}

module attributes {stable_mosaic.version = 14 : i64} {
  func.func @_router_meta_body(%arg0: memref<4096x1024xf32, #tpu.memory_space<vmem>>, %arg1: memref<8x1024xf32, #tpu.memory_space<vmem>>, %arg2: memref<4096x2xi32, #tpu.memory_space<vmem>>, %arg3: memref<4096x2xf32, #tpu.memory_space<vmem>>, %arg4: memref<40x1xi32, #tpu.memory_space<vmem>>, %arg5: memref<1x1xf32, #tpu.memory_space<vmem>>, %arg6: memref<4096x8x128xbf16, #tpu.memory_space<vmem>>, %arg7: memref<4096x512xi32, #tpu.memory_space<vmem>>) attributes {dimension_semantics = [], scalar_prefetch = 0 : i64, scratch_operands = 0 : i64, tpu.core_type = #tpu.core_type<tc>} {
    %get3A = arith.constant 0 : index
    %get3A_0 = arith.constant 0 : index
    %get3A_1 = vector.load %arg0[%get3A, %get3A_0] : memref<4096x1024xf32, #tpu.memory_space<vmem>>, vector<4096x1024xf32>
    %convert_element_type3A = arith.truncf %get3A_1 : vector<4096x1024xf32> to vector<4096x1024xbf16>
    %reshape3A = vector.shape_cast %convert_element_type3A : vector<4096x1024xbf16> to vector<4096x8x128xbf16>
    %swap3A = arith.constant 0 : index
    %swap3A_2 = arith.constant 0 : index
    %swap3A_3 = arith.constant 0 : index
    %swap3A_4 = vector.load %arg6[%swap3A, %swap3A_2, %swap3A_3] : memref<4096x8x128xbf16, #tpu.memory_space<vmem>>, vector<4096x8x128xbf16>
    tpu.vector_store %arg6[%swap3A, %swap3A_2, %swap3A_3], %reshape3A {strides = array<i32>} : memref<4096x8x128xbf16, #tpu.memory_space<vmem>>, vector<4096x8x128xbf16>,
    %slice3A = vector.extract_strided_slice %get3A_1 {offsets = [0, 0], sizes = [4096, 512], strides = [1, 1]} : vector<4096x1024xf32> to vector<4096x512xf32>
    %convert_element_type3A_5 = arith.truncf %slice3A : vector<4096x512xf32> to vector<4096x512xbf16>
    %convert_element_type3A_6 = arith.extf %convert_element_type3A_5 : vector<4096x512xbf16> to vector<4096x512xf32>
    %bitcast_convert_type3A = tpu.bitcast %convert_element_type3A_6 : vector<4096x512xf32> -> vector<4096x512xi32>
    %slice3A_7 = vector.extract_strided_slice %get3A_1 {offsets = [0, 512], sizes = [4096, 512], strides = [1, 1]} : vector<4096x1024xf32> to vector<4096x512xf32>
    %convert_element_type3A_8 = arith.truncf %slice3A_7 : vector<4096x512xf32> to vector<4096x512xbf16>
    %convert_element_type3A_9 = arith.extf %convert_element_type3A_8 : vector<4096x512xbf16> to vector<4096x512xf32>
    %bitcast_convert_type3A_10 = tpu.bitcast %convert_element_type3A_9 : vector<4096x512xf32> -> vector<4096x512xi32>
    %shift_right_logical3A = arith.constant 16 : i32
    %shift_right_logical3A_11 = vector.broadcast %shift_right_logical3A : i32 to vector<4096x512xi32>
    %shift_right_logical3A_12 = arith.shrui %bitcast_convert_type3A_10, %shift_right_logical3A_11 : vector<4096x512xi32>
    %or3A = arith.ori %bitcast_convert_type3A, %shift_right_logical3A_12 : vector<4096x512xi32>
    %swap3A_13 = arith.constant 0 : index
    %swap3A_14 = arith.constant 0 : index
    %swap3A_15 = vector.load %arg7[%swap3A_13, %swap3A_14] : memref<4096x512xi32, #tpu.memory_space<vmem>>, vector<4096x512xi32>
    tpu.vector_store %arg7[%swap3A_13, %swap3A_14], %or3A {strides = array<i32>} : memref<4096x512xi32, #tpu.memory_space<vmem>>, vector<4096x512xi32>,
    %get3A_16 = arith.constant 0 : index
    %get3A_17 = arith.constant 0 : index
    %get3A_18 = vector.load %arg1[%get3A_16, %get3A_17] : memref<8x1024xf32, #tpu.memory_space<vmem>>, vector<8x1024xf32>
    %dot_general3A = arith.constant dense<0.000000e+00> : vector<4096x8xf32>
    %dot_general3A_19 = tpu.matmul %get3A_1, %get3A_18, %dot_general3A {dimension_numbers = #tpu.dot_dimension_numbers<[1], [1], [0], [0], [0, 0, 1, 0], [], []>, transpose_lhs_hint = false} : vector<4096x1024xf32>, vector<8x1024xf32>, vector<4096x8xf32> -> vector<4096x8xf32>
    %iota3A = tpu.iota {dimensions = array<i32: 1>} : vector<4096x8xi32>
    %reduce_max3A = arith.constant dense<0xFF800000> : vector<4096xf32>
    %reduce_max3A_20 = vector.multi_reduction <maximumf>, %dot_general3A_19, %reduce_max3A [1] : vector<4096x8xf32> to vector<4096xf32>
    %broadcast_in_dim3A = vector.shape_cast %reduce_max3A_20 : vector<4096xf32> to vector<4096x1xf32>
    %eq3A = vector.broadcast %broadcast_in_dim3A : vector<4096x1xf32> to vector<4096x8xf32>
    %eq3A_21 = arith.cmpf oeq, %dot_general3A_19, %eq3A : vector<4096x8xf32>
    %jit3A = arith.constant 8 : i32
    %broadcast_in_dim3A_22 = vector.broadcast %jit3A : i32 to vector<4096x8xi32>
    %select_n3A = arith.select %eq3A_21, %iota3A, %broadcast_in_dim3A_22 : vector<4096x8xi1>, vector<4096x8xi32>
    %reduce_min3A = arith.constant dense<2147483647> : vector<4096xi32>
    %reduce_min3A_23 = vector.multi_reduction <minsi>, %select_n3A, %reduce_min3A [1] : vector<4096x8xi32> to vector<4096xi32>
    %broadcast_in_dim3A_24 = vector.shape_cast %reduce_min3A_23 : vector<4096xi32> to vector<4096x1xi32>
    %eq3A_25 = vector.broadcast %broadcast_in_dim3A_24 : vector<4096x1xi32> to vector<4096x8xi32>
    %eq3A_26 = arith.cmpi eq, %iota3A, %eq3A_25 : vector<4096x8xi32>
    %convert_element_type3A_27 = arith.extui %eq3A_26 : vector<4096x8xi1> to vector<4096x8xi32>
    %convert_element_type3A_28 = arith.sitofp %convert_element_type3A_27 : vector<4096x8xi32> to vector<4096x8xf32>
    %eq3A_29 = vector.broadcast %broadcast_in_dim3A_24 : vector<4096x1xi32> to vector<4096x8xi32>
    %eq3A_30 = arith.cmpi eq, %iota3A, %eq3A_29 : vector<4096x8xi32>
    %jit3A_31 = arith.constant 0xFF800000 : f32
    %broadcast_in_dim3A_32 = vector.broadcast %jit3A_31 : f32 to vector<4096x8xf32>
    %select_n3A_33 = arith.select %eq3A_30, %broadcast_in_dim3A_32, %dot_general3A_19 : vector<4096x8xi1>, vector<4096x8xf32>
    %reduce_max3A_34 = arith.constant dense<0xFF800000> : vector<4096xf32>
    %reduce_max3A_35 = vector.multi_reduction <maximumf>, %select_n3A_33, %reduce_max3A_34 [1] : vector<4096x8xf32> to vector<4096xf32>
    %broadcast_in_dim3A_36 = vector.shape_cast %reduce_max3A_35 : vector<4096xf32> to vector<4096x1xf32>
    %eq3A_37 = vector.broadcast %broadcast_in_dim3A_36 : vector<4096x1xf32> to vector<4096x8xf32>
    %eq3A_38 = arith.cmpf oeq, %select_n3A_33, %eq3A_37 : vector<4096x8xf32>
    %jit3A_39 = arith.constant 8 : i32
    %broadcast_in_dim3A_40 = vector.broadcast %jit3A_39 : i32 to vector<4096x8xi32>
    %select_n3A_41 = arith.select %eq3A_38, %iota3A, %broadcast_in_dim3A_40 : vector<4096x8xi1>, vector<4096x8xi32>
    %reduce_min3A_42 = arith.constant dense<2147483647> : vector<4096xi32>
    %reduce_min3A_43 = vector.multi_reduction <minsi>, %select_n3A_41, %reduce_min3A_42 [1] : vector<4096x8xi32> to vector<4096xi32>
    %broadcast_in_dim3A_44 = vector.shape_cast %reduce_min3A_43 : vector<4096xi32> to vector<4096x1xi32>
    %eq3A_45 = vector.broadcast %broadcast_in_dim3A_44 : vector<4096x1xi32> to vector<4096x8xi32>
    %eq3A_46 = arith.cmpi eq, %iota3A, %eq3A_45 : vector<4096x8xi32>
    %convert_element_type3A_47 = arith.extui %eq3A_46 : vector<4096x8xi1> to vector<4096x8xi32>
    %convert_element_type3A_48 = arith.sitofp %convert_element_type3A_47 : vector<4096x8xi32> to vector<4096x8xf32>
    %sub3A = arith.subf %broadcast_in_dim3A, %broadcast_in_dim3A_36 : vector<4096x1xf32>
    %exp3A = math.exp %sub3A : vector<4096x1xf32>
    %add3A = arith.constant 1.000000e+00 : f32
    %add3A_49 = vector.broadcast %add3A : f32 to vector<4096x1xf32>
    %add3A_50 = arith.addf %add3A_49, %exp3A : vector<4096x1xf32>
    %div3A = arith.constant 1.000000e+00 : f32
    %div3A_51 = vector.broadcast %div3A : f32 to vector<4096x1xf32>
    %div3A_52 = arith.divf %div3A_51, %add3A_50 : vector<4096x1xf32>
    %sub3A_53 = arith.constant 1.000000e+00 : f32
    %sub3A_54 = vector.broadcast %sub3A_53 : f32 to vector<4096x1xf32>
    %sub3A_55 = arith.subf %sub3A_54, %div3A_52 : vector<4096x1xf32>
    %concatenate3A = tpu.concatenate %sub3A_55, %div3A_52 in 1 : vector<4096x1xf32>, vector<4096x1xf32> -> vector<4096x2xf32>
    %swap3A_56 = arith.constant 0 : index
    %swap3A_57 = arith.constant 0 : index
    %swap3A_58 = vector.load %arg3[%swap3A_56, %swap3A_57] : memref<4096x2xf32, #tpu.memory_space<vmem>>, vector<4096x2xf32>
    tpu.vector_store %arg3[%swap3A_56, %swap3A_57], %concatenate3A {strides = array<i32>} : memref<4096x2xf32, #tpu.memory_space<vmem>>, vector<4096x2xf32>,
    %add3A_59 = arith.addf %convert_element_type3A_28, %convert_element_type3A_48 : vector<4096x8xf32>
    %broadcast_in_dim3A_60 = arith.constant 0.000000e+00 : f32
    %broadcast_in_dim3A_61 = vector.broadcast %broadcast_in_dim3A_60 : f32 to vector<1x8xf32>
    %slice3A_62 = vector.extract_strided_slice %add3A_59 {offsets = [0, 0], sizes = [4095, 8], strides = [1, 1]} : vector<4096x8xf32> to vector<4095x8xf32>
    %concatenate3A_63 = tpu.concatenate %broadcast_in_dim3A_61, %slice3A_62 in 0 : vector<1x8xf32>, vector<4095x8xf32> -> vector<4096x8xf32>
    %add3A_64 = arith.addf %add3A_59, %concatenate3A_63 : vector<4096x8xf32>
    %broadcast_in_dim3A_65 = arith.constant 0.000000e+00 : f32
    %broadcast_in_dim3A_66 = vector.broadcast %broadcast_in_dim3A_65 : f32 to vector<2x8xf32>
    %slice3A_67 = vector.extract_strided_slice %add3A_64 {offsets = [0, 0], sizes = [4094, 8], strides = [1, 1]} : vector<4096x8xf32> to vector<4094x8xf32>
    %concatenate3A_68 = tpu.concatenate %broadcast_in_dim3A_66, %slice3A_67 in 0 : vector<2x8xf32>, vector<4094x8xf32> -> vector<4096x8xf32>
    %add3A_69 = arith.addf %add3A_64, %concatenate3A_68 : vector<4096x8xf32>
    %broadcast_in_dim3A_70 = arith.constant 0.000000e+00 : f32
    %broadcast_in_dim3A_71 = vector.broadcast %broadcast_in_dim3A_70 : f32 to vector<4x8xf32>
    %slice3A_72 = vector.extract_strided_slice %add3A_69 {offsets = [0, 0], sizes = [4092, 8], strides = [1, 1]} : vector<4096x8xf32> to vector<4092x8xf32>
    %concatenate3A_73 = tpu.concatenate %broadcast_in_dim3A_71, %slice3A_72 in 0 : vector<4x8xf32>, vector<4092x8xf32> -> vector<4096x8xf32>
    %add3A_74 = arith.addf %add3A_69, %concatenate3A_73 : vector<4096x8xf32>
    %broadcast_in_dim3A_75 = arith.constant 0.000000e+00 : f32
    %broadcast_in_dim3A_76 = vector.broadcast %broadcast_in_dim3A_75 : f32 to vector<8x8xf32>
    %slice3A_77 = vector.extract_strided_slice %add3A_74 {offsets = [0, 0], sizes = [4088, 8], strides = [1, 1]} : vector<4096x8xf32> to vector<4088x8xf32>
    %concatenate3A_78 = tpu.concatenate %broadcast_in_dim3A_76, %slice3A_77 in 0 : vector<8x8xf32>, vector<4088x8xf32> -> vector<4096x8xf32>
    %add3A_79 = arith.addf %add3A_74, %concatenate3A_78 : vector<4096x8xf32>
    %broadcast_in_dim3A_80 = arith.constant 0.000000e+00 : f32
    %broadcast_in_dim3A_81 = vector.broadcast %broadcast_in_dim3A_80 : f32 to vector<16x8xf32>
    %slice3A_82 = vector.extract_strided_slice %add3A_79 {offsets = [0, 0], sizes = [4080, 8], strides = [1, 1]} : vector<4096x8xf32> to vector<4080x8xf32>
    %concatenate3A_83 = tpu.concatenate %broadcast_in_dim3A_81, %slice3A_82 in 0 : vector<16x8xf32>, vector<4080x8xf32> -> vector<4096x8xf32>
    %add3A_84 = arith.addf %add3A_79, %concatenate3A_83 : vector<4096x8xf32>
    %broadcast_in_dim3A_85 = arith.constant 0.000000e+00 : f32
    %broadcast_in_dim3A_86 = vector.broadcast %broadcast_in_dim3A_85 : f32 to vector<32x8xf32>
    %slice3A_87 = vector.extract_strided_slice %add3A_84 {offsets = [0, 0], sizes = [4064, 8], strides = [1, 1]} : vector<4096x8xf32> to vector<4064x8xf32>
    %concatenate3A_88 = tpu.concatenate %broadcast_in_dim3A_86, %slice3A_87 in 0 : vector<32x8xf32>, vector<4064x8xf32> -> vector<4096x8xf32>
    %add3A_89 = arith.addf %add3A_84, %concatenate3A_88 : vector<4096x8xf32>
    %broadcast_in_dim3A_90 = arith.constant 0.000000e+00 : f32
    %broadcast_in_dim3A_91 = vector.broadcast %broadcast_in_dim3A_90 : f32 to vector<64x8xf32>
    %slice3A_92 = vector.extract_strided_slice %add3A_89 {offsets = [0, 0], sizes = [4032, 8], strides = [1, 1]} : vector<4096x8xf32> to vector<4032x8xf32>
    %concatenate3A_93 = tpu.concatenate %broadcast_in_dim3A_91, %slice3A_92 in 0 : vector<64x8xf32>, vector<4032x8xf32> -> vector<4096x8xf32>
    %add3A_94 = arith.addf %add3A_89, %concatenate3A_93 : vector<4096x8xf32>
    %broadcast_in_dim3A_95 = arith.constant 0.000000e+00 : f32
    %broadcast_in_dim3A_96 = vector.broadcast %broadcast_in_dim3A_95 : f32 to vector<128x8xf32>
    %slice3A_97 = vector.extract_strided_slice %add3A_94 {offsets = [0, 0], sizes = [3968, 8], strides = [1, 1]} : vector<4096x8xf32> to vector<3968x8xf32>
    %concatenate3A_98 = tpu.concatenate %broadcast_in_dim3A_96, %slice3A_97 in 0 : vector<128x8xf32>, vector<3968x8xf32> -> vector<4096x8xf32>
    %add3A_99 = arith.addf %add3A_94, %concatenate3A_98 : vector<4096x8xf32>
    %broadcast_in_dim3A_100 = arith.constant 0.000000e+00 : f32
    %broadcast_in_dim3A_101 = vector.broadcast %broadcast_in_dim3A_100 : f32 to vector<256x8xf32>
    %slice3A_102 = vector.extract_strided_slice %add3A_99 {offsets = [0, 0], sizes = [3840, 8], strides = [1, 1]} : vector<4096x8xf32> to vector<3840x8xf32>
    %concatenate3A_103 = tpu.concatenate %broadcast_in_dim3A_101, %slice3A_102 in 0 : vector<256x8xf32>, vector<3840x8xf32> -> vector<4096x8xf32>
    %add3A_104 = arith.addf %add3A_99, %concatenate3A_103 : vector<4096x8xf32>
    %broadcast_in_dim3A_105 = arith.constant 0.000000e+00 : f32
    %broadcast_in_dim3A_106 = vector.broadcast %broadcast_in_dim3A_105 : f32 to vector<512x8xf32>
    %slice3A_107 = vector.extract_strided_slice %add3A_104 {offsets = [0, 0], sizes = [3584, 8], strides = [1, 1]} : vector<4096x8xf32> to vector<3584x8xf32>
    %concatenate3A_108 = tpu.concatenate %broadcast_in_dim3A_106, %slice3A_107 in 0 : vector<512x8xf32>, vector<3584x8xf32> -> vector<4096x8xf32>
    %add3A_109 = arith.addf %add3A_104, %concatenate3A_108 : vector<4096x8xf32>
    %broadcast_in_dim3A_110 = arith.constant 0.000000e+00 : f32
    %broadcast_in_dim3A_111 = vector.broadcast %broadcast_in_dim3A_110 : f32 to vector<1024x8xf32>
    %slice3A_112 = vector.extract_strided_slice %add3A_109 {offsets = [0, 0], sizes = [3072, 8], strides = [1, 1]} : vector<4096x8xf32> to vector<3072x8xf32>
    %concatenate3A_113 = tpu.concatenate %broadcast_in_dim3A_111, %slice3A_112 in 0 : vector<1024x8xf32>, vector<3072x8xf32> -> vector<4096x8xf32>
    %add3A_114 = arith.addf %add3A_109, %concatenate3A_113 : vector<4096x8xf32>
    %broadcast_in_dim3A_115 = arith.constant 0.000000e+00 : f32
    %broadcast_in_dim3A_116 = vector.broadcast %broadcast_in_dim3A_115 : f32 to vector<2048x8xf32>
    %slice3A_117 = vector.extract_strided_slice %add3A_114 {offsets = [0, 0], sizes = [2048, 8], strides = [1, 1]} : vector<4096x8xf32> to vector<2048x8xf32>
    %concatenate3A_118 = tpu.concatenate %broadcast_in_dim3A_116, %slice3A_117 in 0 : vector<2048x8xf32>, vector<2048x8xf32> -> vector<4096x8xf32>
    %add3A_119 = arith.addf %add3A_114, %concatenate3A_118 : vector<4096x8xf32>
    %sub3A_120 = arith.subf %add3A_119, %add3A_59 : vector<4096x8xf32>
    %slice3A_121 = vector.extract_strided_slice %add3A_119 {offsets = [4095, 0], sizes = [1, 8], strides = [1, 1]} : vector<4096x8xf32> to vector<1x8xf32>
    %convert_element_type3A_122 = arith.fptosi %slice3A_121 : vector<1x8xf32> to vector<1x8xi32>
    %add3A_123 = arith.constant 255 : i32
    %add3A_124 = vector.broadcast %add3A_123 : i32 to vector<1x8xi32>
    %add3A_125 = arith.addi %convert_element_type3A_122, %add3A_124 : vector<1x8xi32>
    %jit3A_126 = arith.constant 256 : i32
    %div3A_127 = vector.broadcast %jit3A_126 : i32 to vector<1x8xi32>
    %div3A_128 = arith.divsi %add3A_125, %div3A_127 : vector<1x8xi32>
    %sign3A = arith.constant 0 : i32
    %sign3A_129 = vector.broadcast %sign3A : i32 to vector<1x8xi32>
    %sign3A_130 = arith.cmpi sgt, %add3A_125, %sign3A_129 : vector<1x8xi32>
    %sign3A_131 = arith.extui %sign3A_130 : vector<1x8xi1> to vector<1x8xi32>
    %sign3A_132 = arith.constant 0 : i32
    %sign3A_133 = vector.broadcast %sign3A_132 : i32 to vector<1x8xi32>
    %sign3A_134 = arith.cmpi slt, %add3A_125, %sign3A_133 : vector<1x8xi32>
    %sign3A_135 = arith.extui %sign3A_134 : vector<1x8xi1> to vector<1x8xi32>
    %sign3A_136 = arith.subi %sign3A_131, %sign3A_135 : vector<1x8xi32>
    %sign3A_137 = arith.constant 0 : i32
    %sign3A_138 = arith.cmpi sgt, %jit3A_126, %sign3A_137 : i32
    %sign3A_139 = arith.extui %sign3A_138 : i1 to i32
    %sign3A_140 = arith.constant 0 : i32
    %sign3A_141 = arith.cmpi slt, %jit3A_126, %sign3A_140 : i32
    %sign3A_142 = arith.extui %sign3A_141 : i1 to i32
    %sign3A_143 = arith.subi %sign3A_139, %sign3A_142 : i32
    %ne3A = vector.broadcast %sign3A_143 : i32 to vector<1x8xi32>
    %ne3A_144 = arith.cmpi ne, %sign3A_136, %ne3A : vector<1x8xi32>
    %rem3A = vector.broadcast %jit3A_126 : i32 to vector<1x8xi32>
    %rem3A_145 = arith.remsi %add3A_125, %rem3A : vector<1x8xi32>
    %ne3A_146 = arith.constant 0 : i32
    %ne3A_147 = vector.broadcast %ne3A_146 : i32 to vector<1x8xi32>
    %ne3A_148 = arith.cmpi ne, %rem3A_145, %ne3A_147 : vector<1x8xi32>
    %and3A = arith.andi %ne3A_144, %ne3A_148 : vector<1x8xi1>
    %sub3A_149 = arith.constant 1 : i32
    %sub3A_150 = vector.broadcast %sub3A_149 : i32 to vector<1x8xi32>
    %sub3A_151 = arith.subi %div3A_128, %sub3A_150 : vector<1x8xi32>
    %select_n3A_152 = arith.select %and3A, %sub3A_151, %div3A_128 : vector<1x8xi1>, vector<1x8xi32>
    %mul3A = arith.constant 256 : i32
    %mul3A_153 = vector.broadcast %mul3A : i32 to vector<1x8xi32>
    %mul3A_154 = arith.muli %select_n3A_152, %mul3A_153 : vector<1x8xi32>
    %broadcast_in_dim3A_155 = arith.constant 0 : i32
    %broadcast_in_dim3A_156 = vector.broadcast %broadcast_in_dim3A_155 : i32 to vector<1x1xi32>
    %slice3A_157 = vector.extract_strided_slice %mul3A_154 {offsets = [0, 0], sizes = [1, 7], strides = [1, 1]} : vector<1x8xi32> to vector<1x7xi32>
    %concatenate3A_158 = tpu.concatenate %broadcast_in_dim3A_156, %slice3A_157 in 1 : vector<1x1xi32>, vector<1x7xi32> -> vector<1x8xi32>
    %add3A_159 = arith.addi %mul3A_154, %concatenate3A_158 : vector<1x8xi32>
    %broadcast_in_dim3A_160 = arith.constant 0 : i32
    %broadcast_in_dim3A_161 = vector.broadcast %broadcast_in_dim3A_160 : i32 to vector<1x2xi32>
    %slice3A_162 = vector.extract_strided_slice %add3A_159 {offsets = [0, 0], sizes = [1, 6], strides = [1, 1]} : vector<1x8xi32> to vector<1x6xi32>
    %concatenate3A_163 = tpu.concatenate %broadcast_in_dim3A_161, %slice3A_162 in 1 : vector<1x2xi32>, vector<1x6xi32> -> vector<1x8xi32>
    %add3A_164 = arith.addi %add3A_159, %concatenate3A_163 : vector<1x8xi32>
    %broadcast_in_dim3A_165 = arith.constant 0 : i32
    %broadcast_in_dim3A_166 = vector.broadcast %broadcast_in_dim3A_165 : i32 to vector<1x4xi32>
    %slice3A_167 = vector.extract_strided_slice %add3A_164 {offsets = [0, 0], sizes = [1, 4], strides = [1, 1]} : vector<1x8xi32> to vector<1x4xi32>
    %concatenate3A_168 = tpu.concatenate %broadcast_in_dim3A_166, %slice3A_167 in 1 : vector<1x4xi32>, vector<1x4xi32> -> vector<1x8xi32>
    %add3A_169 = arith.addi %add3A_164, %concatenate3A_168 : vector<1x8xi32>
    %sub3A_170 = arith.subi %add3A_169, %mul3A_154 : vector<1x8xi32>
    %convert_element_type3A_171 = arith.sitofp %sub3A_170 : vector<1x8xi32> to vector<1x8xf32>
    %add3A_172 = vector.broadcast %convert_element_type3A_171 : vector<1x8xf32> to vector<4096x8xf32>
    %add3A_173 = arith.addf %add3A_172, %sub3A_120 : vector<4096x8xf32>
    %mul3A_174 = arith.mulf %convert_element_type3A_28, %add3A_173 : vector<4096x8xf32>
    %reduce_sum3A = arith.constant dense<0.000000e+00> : vector<4096xf32>
    %reduce_sum3A_175 = vector.multi_reduction <add>, %mul3A_174, %reduce_sum3A [1] : vector<4096x8xf32> to vector<4096xf32>
    %broadcast_in_dim3A_176 = vector.shape_cast %reduce_sum3A_175 : vector<4096xf32> to vector<4096x1xf32>
    %mul3A_177 = arith.mulf %convert_element_type3A_48, %add3A_173 : vector<4096x8xf32>
    %reduce_sum3A_178 = arith.constant dense<0.000000e+00> : vector<4096xf32>
    %reduce_sum3A_179 = vector.multi_reduction <add>, %mul3A_177, %reduce_sum3A_178 [1] : vector<4096x8xf32> to vector<4096xf32>
    %broadcast_in_dim3A_180 = vector.shape_cast %reduce_sum3A_179 : vector<4096xf32> to vector<4096x1xf32>
    %concatenate3A_181 = tpu.concatenate %broadcast_in_dim3A_176, %broadcast_in_dim3A_180 in 1 : vector<4096x1xf32>, vector<4096x1xf32> -> vector<4096x2xf32>
    %convert_element_type3A_182 = arith.fptosi %concatenate3A_181 : vector<4096x2xf32> to vector<4096x2xi32>
    %swap3A_183 = arith.constant 0 : index
    %swap3A_184 = arith.constant 0 : index
    %swap3A_185 = vector.load %arg2[%swap3A_183, %swap3A_184] : memref<4096x2xi32, #tpu.memory_space<vmem>>, vector<4096x2xi32>
    tpu.vector_store %arg2[%swap3A_183, %swap3A_184], %convert_element_type3A_182 {strides = array<i32>} : memref<4096x2xi32, #tpu.memory_space<vmem>>, vector<4096x2xi32>,
    %iota3A_186 = tpu.iota {dimensions = array<i32: 0>} : vector<40x8xi32>
    %mul3A_187 = arith.constant 256 : i32
    %mul3A_188 = vector.broadcast %mul3A_187 : i32 to vector<40x8xi32>
    %mul3A_189 = arith.muli %iota3A_186, %mul3A_188 : vector<40x8xi32>
    %broadcast_in_dim3A_190 = vector.shape_cast %add3A_169 : vector<1x8xi32> to vector<1x8xi32>
    %broadcast_in_dim3A_191 = vector.broadcast %broadcast_in_dim3A_190 : vector<1x8xi32> to vector<40x8xi32>
    %le3A = arith.cmpi sle, %broadcast_in_dim3A_191, %mul3A_189 : vector<40x8xi32>
    %convert_element_type3A_192 = arith.extui %le3A : vector<40x8xi1> to vector<40x8xi32>
    %reduce_sum3A_193 = arith.constant dense<0> : vector<40xi32>
    %reduce_sum3A_194 = vector.multi_reduction <add>, %convert_element_type3A_192, %reduce_sum3A_193 [1] : vector<40x8xi32> to vector<40xi32>
    %broadcast_in_dim3A_195 = vector.shape_cast %reduce_sum3A_194 : vector<40xi32> to vector<40x1xi32>
    %swap3A_196 = arith.constant 0 : index
    %swap3A_197 = arith.constant 0 : index
    %swap3A_198 = vector.load %arg4[%swap3A_196, %swap3A_197] : memref<40x1xi32, #tpu.memory_space<vmem>>, vector<40x1xi32>
    tpu.vector_store %arg4[%swap3A_196, %swap3A_197], %broadcast_in_dim3A_195 {strides = array<i32>} : memref<40x1xi32, #tpu.memory_space<vmem>>, vector<40x1xi32>,
    %sub3A_199 = vector.broadcast %broadcast_in_dim3A : vector<4096x1xf32> to vector<4096x8xf32>
    %sub3A_200 = arith.subf %dot_general3A_19, %sub3A_199 : vector<4096x8xf32>
    %exp3A_201 = math.exp %sub3A_200 : vector<4096x8xf32>
    %reduce_sum3A_202 = arith.constant dense<0.000000e+00> : vector<4096xf32>
    %reduce_sum3A_203 = vector.multi_reduction <add>, %exp3A_201, %reduce_sum3A_202 [1] : vector<4096x8xf32> to vector<4096xf32>
    %broadcast_in_dim3A_204 = vector.shape_cast %reduce_sum3A_203 : vector<4096xf32> to vector<4096x1xf32>
    %div3A_205 = vector.broadcast %broadcast_in_dim3A_204 : vector<4096x1xf32> to vector<4096x8xf32>
    %div3A_206 = arith.divf %exp3A_201, %div3A_205 : vector<4096x8xf32>
    %reduce_sum3A_207 = arith.constant dense<0.000000e+00> : vector<8xf32>
    %reduce_sum3A_208 = vector.multi_reduction <add>, %div3A_206, %reduce_sum3A_207 [0] : vector<4096x8xf32> to vector<8xf32>
    %broadcast_in_dim3A_209 = vector.shape_cast %reduce_sum3A_208 : vector<8xf32> to vector<1x8xf32>
    %mul3A_210 = arith.mulf %broadcast_in_dim3A_209, %slice3A_121 : vector<1x8xf32>
    %reduce_sum3A_211 = vector.shape_cast %mul3A_210 : vector<1x8xf32> to vector<1x1x8xf32>
    %reduce_sum3A_212 = arith.constant dense<0.000000e+00> : vector<1xf32>
    %reduce_sum3A_213 = vector.multi_reduction <add>, %reduce_sum3A_211, %reduce_sum3A_212 [1, 2] : vector<1x1x8xf32> to vector<1xf32>
    %reduce_sum3A_214 = vector.shape_cast %reduce_sum3A_213 : vector<1xf32> to vector<1x1x1xf32>
    %reduce_sum3A_215 = vector.extract %reduce_sum3A_214[0, 0, 0] : f32 from vector<1x1x1xf32>
    %div3A_216 = arith.constant 0x4B800000 : f32
    %div3A_217 = arith.divf %reduce_sum3A_215, %div3A_216 : f32
    %reshape3A_218 = vector.broadcast %div3A_217 : f32 to vector<1x1xf32>
    %swap3A_219 = arith.constant 0 : index
    %swap3A_220 = arith.constant 0 : index
    %swap3A_221 = vector.load %arg5[%swap3A_219, %swap3A_220] : memref<1x1xf32, #tpu.memory_space<vmem>>, vector<1x1xf32>
    tpu.vector_store %arg5[%swap3A_219, %swap3A_220], %reshape3A_218 {strides = array<i32>} : memref<1x1xf32, #tpu.memory_space<vmem>>, vector<1x1xf32>,
    return
  }
}

module attributes {stable_mosaic.version = 14 : i64} {
  func.func @_sharedfinal_body(%arg0: i32, %arg1: memref<512x8x128xbf16, #tpu.memory_space<vmem>>, %arg2: memref<2x1024x1024xf32, #tpu.memory_space<vmem>>, %arg3: memref<512x512xi32, #tpu.memory_space<vmem>>, %arg4: memref<512x512xi32, #tpu.memory_space<vmem>>, %arg5: memref<512x2xf32, #tpu.memory_space<vmem>>, %arg6: memref<512x1024xf32, #tpu.memory_space<vmem>>, %arg7: memref<1024x1024xbf16, #tpu.memory_space<vmem>>) attributes {dimension_semantics = [#tpu.dimension_semantics<arbitrary>], iteration_bounds = array<i64: 8>, scalar_prefetch = 0 : i64, scratch_operands = 1 : i64, tpu.core_type = #tpu.core_type<tc>, window_params = [{transform_indices = @transform_0, window_bounds = array<i64: 512, 8, 128>}, {pipeline_mode = #tpu.pipeline_mode<synchronous>, transform_indices = @transform_1, window_bounds = array<i64: 2, 1024, 1024>}, {transform_indices = @transform_2, window_bounds = array<i64: 512, 512>}, {transform_indices = @transform_3, window_bounds = array<i64: 512, 512>}, {transform_indices = @transform_4, window_bounds = array<i64: 512, 2>}, {transform_indices = @transform_5, window_bounds = array<i64: 512, 1024>}]} {
    %eq3A = arith.constant 0 : i32
    %eq3A_0 = arith.cmpi eq, %arg0, %eq3A : i32
    %convert_element_type3A = arith.extui %eq3A_0 : i1 to i32
    %cond3A = arith.constant 0 : i32
    %cond3A_1 = arith.cmpi ne, %convert_element_type3A, %cond3A : i32
    scf.if %cond3A_1 {
      %get3A_39 = arith.constant 0 : index
      %get3A_40 = arith.constant 0 : index
      %get3A_41 = arith.constant 0 : index
      %get3A_42 = vector.load %arg2[%get3A_39, %get3A_40, %get3A_41] : memref<2x1024x1024xf32, #tpu.memory_space<vmem>>, vector<1x1024x1024xf32>
      %get3A_43 = vector.shape_cast %get3A_42 : vector<1x1024x1024xf32> to vector<1024x1024xf32>
      %get3A_44 = arith.constant 1 : index
      %get3A_45 = arith.constant 0 : index
      %get3A_46 = arith.constant 0 : index
      %get3A_47 = vector.load %arg2[%get3A_44, %get3A_45, %get3A_46] : memref<2x1024x1024xf32, #tpu.memory_space<vmem>>, vector<1x1024x1024xf32>
      %get3A_48 = vector.shape_cast %get3A_47 : vector<1x1024x1024xf32> to vector<1024x1024xf32>
      %add3A_49 = arith.addf %get3A_43, %get3A_48 : vector<1024x1024xf32>
      %convert_element_type3A_50 = arith.truncf %add3A_49 : vector<1024x1024xf32> to vector<1024x1024xbf16>
      %swap3A_51 = arith.constant 0 : index
      %swap3A_52 = arith.constant 0 : index
      %swap3A_53 = vector.load %arg7[%swap3A_51, %swap3A_52] : memref<1024x1024xbf16, #tpu.memory_space<vmem>>, vector<1024x1024xbf16>
      tpu.vector_store %arg7[%swap3A_51, %swap3A_52], %convert_element_type3A_50 {strides = array<i32>} : memref<1024x1024xbf16, #tpu.memory_space<vmem>>, vector<1024x1024xbf16>,
    } else {
    }
    %get3A = arith.constant 0 : index
    %get3A_2 = arith.constant 0 : index
    %get3A_3 = arith.constant 0 : index
    %get3A_4 = vector.load %arg1[%get3A, %get3A_2, %get3A_3] : memref<512x8x128xbf16, #tpu.memory_space<vmem>>, vector<512x8x128xbf16>
    %reshape3A = vector.shape_cast %get3A_4 : vector<512x8x128xbf16> to vector<512x1024xbf16>
    %get3A_5 = arith.constant 0 : index
    %get3A_6 = arith.constant 0 : index
    %get3A_7 = vector.load %arg7[%get3A_5, %get3A_6] : memref<1024x1024xbf16, #tpu.memory_space<vmem>>, vector<1024x1024xbf16>
    %dot_general3A = arith.constant dense<0.000000e+00> : vector<512x1024xf32>
    %dot_general3A_8 = tpu.matmul %reshape3A, %get3A_7, %dot_general3A {dimension_numbers = #tpu.dot_dimension_numbers<[1], [1], [0], [0], [0, 0, 1, 0], [], []>, transpose_lhs_hint = false} : vector<512x1024xbf16>, vector<1024x1024xbf16>, vector<512x1024xf32> -> vector<512x1024xf32>
    %get3A_9 = arith.constant 0 : index
    %get3A_10 = arith.constant 0 : index
    %get3A_11 = vector.load %arg5[%get3A_9, %get3A_10] : memref<512x2xf32, #tpu.memory_space<vmem>>, vector<512x2xf32>
    %get3A_12 = arith.constant 0 : index
    %get3A_13 = arith.constant 0 : index
    %get3A_14 = vector.load %arg3[%get3A_12, %get3A_13] : memref<512x512xi32, #tpu.memory_space<vmem>>, vector<512x512xi32>
    %and3A = arith.constant -65536 : i32
    %and3A_15 = vector.broadcast %and3A : i32 to vector<512x512xi32>
    %and3A_16 = arith.andi %get3A_14, %and3A_15 : vector<512x512xi32>
    %bitcast_convert_type3A = tpu.bitcast %and3A_16 : vector<512x512xi32> -> vector<512x512xf32>
    %shift_left3A = arith.constant 16 : i32
    %shift_left3A_17 = vector.broadcast %shift_left3A : i32 to vector<512x512xi32>
    %shift_left3A_18 = arith.shli %get3A_14, %shift_left3A_17 : vector<512x512xi32>
    %bitcast_convert_type3A_19 = tpu.bitcast %shift_left3A_18 : vector<512x512xi32> -> vector<512x512xf32>
    %concatenate3A = tpu.concatenate %bitcast_convert_type3A, %bitcast_convert_type3A_19 in 1 : vector<512x512xf32>, vector<512x512xf32> -> vector<512x1024xf32>
    %get3A_20 = arith.constant 0 : index
    %get3A_21 = arith.constant 0 : index
    %get3A_22 = vector.load %arg4[%get3A_20, %get3A_21] : memref<512x512xi32, #tpu.memory_space<vmem>>, vector<512x512xi32>
    %and3A_23 = arith.constant -65536 : i32
    %and3A_24 = vector.broadcast %and3A_23 : i32 to vector<512x512xi32>
    %and3A_25 = arith.andi %get3A_22, %and3A_24 : vector<512x512xi32>
    %bitcast_convert_type3A_26 = tpu.bitcast %and3A_25 : vector<512x512xi32> -> vector<512x512xf32>
    %shift_left3A_27 = arith.constant 16 : i32
    %shift_left3A_28 = vector.broadcast %shift_left3A_27 : i32 to vector<512x512xi32>
    %shift_left3A_29 = arith.shli %get3A_22, %shift_left3A_28 : vector<512x512xi32>
    %bitcast_convert_type3A_30 = tpu.bitcast %shift_left3A_29 : vector<512x512xi32> -> vector<512x512xf32>
    %concatenate3A_31 = tpu.concatenate %bitcast_convert_type3A_26, %bitcast_convert_type3A_30 in 1 : vector<512x512xf32>, vector<512x512xf32> -> vector<512x1024xf32>
    %slice3A = vector.extract_strided_slice %get3A_11 {offsets = [0, 0], sizes = [512, 1], strides = [1, 1]} : vector<512x2xf32> to vector<512x1xf32>
    %mul3A = vector.broadcast %slice3A : vector<512x1xf32> to vector<512x1024xf32>
    %mul3A_32 = arith.mulf %mul3A, %concatenate3A : vector<512x1024xf32>
    %add3A = arith.addf %dot_general3A_8, %mul3A_32 : vector<512x1024xf32>
    %slice3A_33 = vector.extract_strided_slice %get3A_11 {offsets = [0, 1], sizes = [512, 1], strides = [1, 1]} : vector<512x2xf32> to vector<512x1xf32>
    %mul3A_34 = vector.broadcast %slice3A_33 : vector<512x1xf32> to vector<512x1024xf32>
    %mul3A_35 = arith.mulf %mul3A_34, %concatenate3A_31 : vector<512x1024xf32>
    %add3A_36 = arith.addf %add3A, %mul3A_35 : vector<512x1024xf32>
    %swap3A = arith.constant 0 : index
    %swap3A_37 = arith.constant 0 : index
    %swap3A_38 = vector.load %arg6[%swap3A, %swap3A_37] : memref<512x1024xf32, #tpu.memory_space<vmem>>, vector<512x1024xf32>
    tpu.vector_store %arg6[%swap3A, %swap3A_37], %add3A_36 {strides = array<i32>} : memref<512x1024xf32, #tpu.memory_space<vmem>>, vector<512x1024xf32>,
    return
  }
  func.func @transform_0(%arg0: i32) -> (i32, i32, i32) {
    %c0_i32 = arith.constant 0 : i32
    %c0_i32_0 = arith.constant 0 : i32
    %c0_i32_1 = arith.constant 0 : i32
    return %arg0, %c0_i32, %c0_i32_0 : i32, i32, i32
  }
  func.func @transform_1(%arg0: i32) -> (i32, i32, i32) {
    %c0_i32 = arith.constant 0 : i32
    %c0_i32_0 = arith.constant 0 : i32
    %c0_i32_1 = arith.constant 0 : i32
    %c0_i32_2 = arith.constant 0 : i32
    return %c0_i32, %c0_i32_0, %c0_i32_1 : i32, i32, i32
  }
  func.func @transform_2(%arg0: i32) -> (i32, i32) {
    %c0_i32 = arith.constant 0 : i32
    %c0_i32_0 = arith.constant 0 : i32
    return %arg0, %c0_i32 : i32, i32
  }
  func.func @transform_3(%arg0: i32) -> (i32, i32) {
    %c0_i32 = arith.constant 0 : i32
    %c0_i32_0 = arith.constant 0 : i32
    return %arg0, %c0_i32 : i32, i32
  }
  func.func @transform_4(%arg0: i32) -> (i32, i32) {
    %c0_i32 = arith.constant 0 : i32
    %c0_i32_0 = arith.constant 0 : i32
    return %arg0, %c0_i32 : i32, i32
  }
  func.func @transform_5(%arg0: i32) -> (i32, i32) {
    %c0_i32 = arith.constant 0 : i32
    %c0_i32_0 = arith.constant 0 : i32
    return %arg0, %c0_i32 : i32, i32
  }
}

</mosaic_0001>

<sc_bundles>
// kernel: kernel.10.cloned.1.call-start
scs
__scs_entry_jumppad:
0x0: {  	(pc) =	sbr.rel $0x88, $3  }
0x1: {  	(tag) =	ssettag $0x0;
	lr =	simm.s32 $0x1  }
0x2: {  	[smem:$0x3F9D] =	sst lr;
	_ =	strace $0xD0000000  }
0x3: {  	_ = 	snop  }
0x4: {  	_ = 	snop  }
0x5: {  	_ = 	snop  }
0x6: {  	_ = 	snop  }
0x7: {  	_ = 	snop  }
__scs_overlays_trampoline_lowered:
0x8: {  	[smem:$0x3FAC] =	sst s0  }
0x9: {  	[smem:$0x3FAD] =	sst s1  }
0xa: {  	[smem:$0x3FAE] =	sst s2  }
0xb: {  	[smem:$0x3FAF] =	sst s3  }
0xc: {  	[smem:$0x3FB0] =	sst s4  }
0xd: {  	[smem:$0x3FB1] =	sst s5  }
0xe: {  	[smem:$0x3FB2] =	sst s6  }
0xf: {  	[smem:$0x3FB3] =	sst s7  }
0x10: {  	[smem:$0x3FB4] =	sst s8  }
0x11: {  	[smem:$0x3FB5] =	sst s9;
	s0 =	simm.s32 @!p0 $0x0  }
0x12: {  	s1 =	sld [smem:$0x3F9B];
	s0 =	simm.s32 @p0 $0x1  }
0x13: {  	[smem:$0x3FB6] =	sst s0;
	s0 =	simm.s32 @!p1 $0x0  }
0x14: {  	s2 =	sld [smem:$0x3F9A];
	s0 =	simm.s32 @p1 $0x1  }
0x15: {  	[smem:$0x3FB7] =	sst s0;
	s0 =	simm.s32 @!p2 $0x0  }
0x16: {  	s3 =	sld [smem:$0x3FDB];
	s0 =	simm.s32 @p2 $0x1  }
0x17: {  	s4 =	simm.s32 $0x1BF5;
	[smem:$0x3FB9] =	sst s0  }
0x18: {  	s0 =	sld [smem:$0x3F9C];
	_ =	swait.ge [sflag:s4], $0x0  }
0x19: {  	s7 =	sld [smem:$0x3F9D]  }
0x1a: {  	s8 =	sadd.s32 $0xFFFFE003, lr  }
0x1b: {  	s9 =	sadd.s32 $0xFFFFFEF7, lr;
	s5 =	simm.s32 $0xFFFFFFFF;
	p2 =	slt.u32 s8, $0xFFFFF086  }
0x1c: {  	p1 =	slt.u32 s9, $0xF7A;
	s5 =	simm.s32 @!p2 $0x0  }
0x1d: {  	s5 =	simm.s32 @p1 $0x1;
	p0 =	seq.s32 s7, s2  }
0x1e: {  	s7 =	smul.u32 @!p0 $0xF7A, s2;
	p2 =	seq.s32 @!p0 s5, $0x0  }
0x1f: {  	s9 =	smul.u32 $0xF7A, s1;
	s8 =	simm.s32 @!p0 $0x1BF5;
	p2 =	por !p2, p0  }
0x20: {  	[sflag:s8] =	ssyncset.s32 @!p0 $0xFFFFF086;
	s6 =	sadd.s32 @!p0 s3, s7;
	s7 =	simm.s32 @!p0 $0x108  }
0x21: {  	s3 =	sadd.s32 s3, s9;
	s6 =	sadd.s32 @!p0 $0x88, s6;
	s7 =	simm.s32 @p2 $0x1082  }
0x22: {  	[simem:s7], [sflag:s8] =	dma.local @!p0 [hbm:s6], $0xF7A  }
0x23: {  	s9 =	sor.u32 $0xD0000000, s2;
	s6 =	simm.s32 $0x108;
	_ =	swait.ge @!p0 [sflag:s8], $0x0  }
0x24: {  	s3 =	sadd.s32 $0x88, s3;
	s6 =	simm.s32 @!p1 $0x1082;
	[sflag:s4] =	ssyncset.s32 $0xFFFFF086  }
0x25: {  	[simem:s6], [sflag:s4] =	dma.local [hbm:s3], $0xF7A  }
0x26: {  	[smem:$0x3F9D] =	sst s1;
	(tag) =	ssettag s2;
	_ =	strace s9  }
0x27: {  	s1 =	sld [smem:$0x3FAD]  }
0x28: {  	s2 =	sld [smem:$0x3FAE]  }
0x29: {  	s4 =	sld [smem:$0x3FB0]  }
0x2a: {  	p0 =	seq.s32 s5, $0x0;
	s5 =	sld [smem:$0x3FB1]  }
0x2b: {  	s6 =	sld [smem:$0x3FB2]  }
0x2c: {  	s7 =	sld [smem:$0x3FB3]  }
0x2d: {  	s3 =	simm.s32 $0x108;
	s8 =	sld [smem:$0x3FB4]  }
0x2e: {  	s3 =	simm.s32 @!p0 $0x1082;
	s9 =	sld [smem:$0x3FB5]  }
0x2f: {  	lr =	sadd.s32 s0, s3;
	s0 =	sld [smem:$0x3FAC]  }
0x30: {  	s3 =	sld [smem:$0x3FAF]  }
0x31: {  	[smem:$0x3FB8] =	sst s10  }
0x32: {  	s10 =	sld [smem:$0x3FB6];
	_ =	sdelay $0x3  }
0x33: {  	p0 =	seq.s32 s10, $0x1;
	s10 =	sld [smem:$0x3FB8];
	_ =	sdelay $0x3  }
0x34: {  	[smem:$0x3FB8] =	sst s10  }
0x35: {  	s10 =	sld [smem:$0x3FB7];
	_ =	sdelay $0x3  }
0x36: {  	p1 =	seq.s32 s10, $0x1;
	s10 =	sld [smem:$0x3FB8];
	_ =	sdelay $0x3  }
0x37: {  	[smem:$0x3FB8] =	sst s10  }
0x38: {  	s10 =	sld [smem:$0x3FB9]  }
0x39: {  	_ = 	snop;
	(pc) =	sbr.ind lr, $3  }
0x3a: {  	_ = 	snop  }
0x3b: {  	_ = 	snop  }
0x3c: {  	p2 =	seq.s32 s10, $0x1;
	s10 =	sld [smem:$0x3FB8]  }
0x3d: {  	_ =	shalt  }
0x3e: {  	_ =	shalt  }
0x3f: {  	_ =	shalt  }
0x40: {  	_ =	shalt  }
0x41: {  	_ =	shalt  }
0x42: {  	_ =	shalt  }
0x43: {  	_ =	shalt  }
0x44: {  	_ =	shalt  }
0x45: {  	_ =	shalt  }
0x46: {  	_ =	shalt  }
0x47: {  	_ =	shalt  }
0x48: {  	_ =	shalt  }
0x49: {  	_ =	shalt  }
0x4a: {  	_ =	shalt  }
0x4b: {  	_ =	shalt  }
0x4c: {  	_ =	shalt  }
0x4d: {  	_ =	shalt  }
0x4e: {  	_ =	shalt  }
0x4f: {  	_ =	shalt  }
0x50: {  	_ =	shalt  }
0x51: {  	_ =	shalt  }
0x52: {  	_ =	shalt  }
0x53: {  	_ =	shalt  }
0x54: {  	_ =	shalt  }
0x55: {  	_ =	shalt  }
0x56: {  	_ =	shalt  }
0x57: {  	_ =	shalt  }
0x58: {  	_ =	shalt  }
0x59: {  	_ =	shalt  }
0x5a: {  	_ =	shalt  }
0x5b: {  	_ =	shalt  }
0x5c: {  	_ =	shalt  }
0x5d: {  	_ =	shalt  }
0x5e: {  	_ =	shalt  }
0x5f: {  	_ =	shalt  }
0x60: {  	_ =	shalt  }
0x61: {  	_ =	shalt  }
0x62: {  	_ =	shalt  }
0x63: {  	_ =	shalt  }
0x64: {  	_ =	shalt  }
0x65: {  	_ =	shalt  }
0x66: {  	_ =	shalt  }
0x67: {  	_ =	shalt  }
0x68: {  	_ =	shalt  }
0x69: {  	_ =	shalt  }
0x6a: {  	_ =	shalt  }
0x6b: {  	_ =	shalt  }
0x6c: {  	_ =	shalt  }
0x6d: {  	_ =	shalt  }
0x6e: {  	_ =	shalt  }
0x6f: {  	_ =	shalt  }
0x70: {  	_ =	shalt  }
0x71: {  	_ =	shalt  }
0x72: {  	_ =	shalt  }
0x73: {  	_ =	shalt  }
0x74: {  	_ =	shalt  }
0x75: {  	_ =	shalt  }
0x76: {  	_ =	shalt  }
0x77: {  	_ =	shalt  }
0x78: {  	_ =	shalt  }
0x79: {  	_ =	shalt  }
0x7a: {  	_ =	shalt  }
0x7b: {  	_ =	shalt  }
0x7c: {  	_ =	shalt  }
0x7d: {  	_ =	shalt  }
0x7e: {  	_ =	shalt  }
0x7f: {  	_ =	shalt  }
0x80: {  	_ =	shalt  }
0x81: {  	_ =	shalt  }
0x82: {  	_ =	shalt  }
0x83: {  	_ =	shalt  }
0x84: {  	_ =	shalt  }
0x85: {  	_ =	shalt  }
0x86: {  	_ =	shalt  }
0x87: {  	_ =	shalt  }
.Lfunc_end0:
.L_simem_size_0:
called_computation.1_lowered:
.L_overlay_start_0:
0x88: {  	s2 =	sld [smem:$0x3FD9]  }
0x89: {  	s3 =	sld [smem:$0x3FFE];
	_ =	sdelay $0x1  }
0x8a: {  	s1 =	srdreg.scid  }
0x8b: {  	s0 =	sand.u32 $0x1, s1  }
0x8c: {  	s16 =	sshll.u32 s0, $0xA;
	s2 =	sadd.s32 s3, s2  }
0x8d: {  	s2 =	sadd.s32 s2, s16  }
0x8e: {  	[smem:$0x3FC4] =	sst s2  }
0x8f: {  	_ = 	snop  }
0x90: {  	(tm) =	ssettm $0x1  }
0x91: {  	s17 =	sld [smem:$0x3FFB];
	_ =	sdelay $0x3  }
0x92: {  	_ =	strace s17  }
0x93: {  	s2 =	sld [smem:$0x3FFC];
	_ =	sdelay $0x3  }
0x94: {  	_ =	strace s2  }
0x95: {  	s2 =	sld [smem:$0x3FFD];
	_ =	sdelay $0x3  }
0x96: {  	_ =	strace s2  }
0x97: {  	_ =	strace $0x8FFFFFFF  }
0x98: {  	s18 =	sld [smem:$0x3FDB];
	_ =	sdelay $0x1  }
0x99: {  	s19 =	simm.s32 $_scs_section_size  }
0x9a: {  	s4 =	simm.s32 $_size__tile_overlayer_lowered;
	s5 =	simm.s32 $_tile_overlayer_lowered  }
0x9b: {  	s22 =	simm.s32 $0x1BFF;
	s21 =	sshll.u32 s5, $0x1;
	s2 =	sadd.s32 s19, s18  }
0x9c: {  	s6 =	simm.s32 $0x0;
	s20 =	sshll.u32 s4, $0x1;
	s4 =	sadd.s32 s21, s2  }
0x9d: {  	[timem:s6], [sflag:s22] =	dma.local [hbm:s4], s20  }
0x9e: {  	_ =	swait.ge [sflag:s22], s20  }
0x9f: {  	s3 =	ssub.s32 $0x0, s20;
	[sflag:s22] =	ssyncset.done $0x0  }
0xa0: {  	[sflag:s22] =	ssyncadd.s32 s3;
	_ =	sdelay $0x1  }
0xa1: {  	s23 =	simm.s32 $0x1B8B  }
0xa2: {  	_ =	swait.ge [sflag:s23], $0x1  }
0xa3: {  	[sflag:s23] =	ssyncset.done $0x0  }
0xa4: {  	s25 =	simm.s32 $0x1B8E;
	s24 =	sld [smem:$0x3FFE];
	[sflag:s23] =	ssyncadd.s32 $0xFFFFFFFF  }
0xa5: {  	s26 =	simm.s32 $execute0_lowered;
	[smem:$0x3FD2] =	sst s25  }
0xa6: {  	s4 =	sshll.u32 s26, $0x1;
	_ =	strace $0x80000049;
	[dreg:$0x1] =	wrdreg $0xFFFFFFFF  }
0xa7: {  	s28 =	simm.s32 $_size_execute0_lowered;
	s2 =	sadd.s32 s2, s4;
	[dreg:$0x0] =	wrdreg $0x0  }
0xa8: {  	s4 =	sshll.u32 s28, $0x1;
	[dreg:$0x2] =	wrdreg s2  }
0xa9: {  	[dreg:$0x3] =	wrdreg s4  }
0xaa: {  	[dreg:$0x4] =	wrdreg $0xC0  }
0xab: {  	_ =	task [dreg:s6], $0x5FFFF  }
0xac: {  	[dreg:$0x1] =	wrdreg $0xFFFFFFFF  }
0xad: {  	[dreg:$0x0] =	wrdreg $0x60  }
0xae: {  	[dreg:$0x2] =	wrdreg s24  }
0xaf: {  	[dreg:$0x3] =	wrdreg $0x9  }
0xb0: {  	_ =	task.clear_ibuf [dreg:s6], $0x4FFFF;
	_ =	strace $0x90000049  }
0xb1: {  	s29 =	simm.s32 $0x9;
	_ =	strace $0x8000004B  }
0xb2: {  	_ =	swait.ge [sflag:s29], $0x1  }
0xb3: {  	[sflag:s29] =	ssyncadd.s32 $0xFFFFFFFF  }
0xb4: {  	_ =	strace $0x9000004B  }
0xb5: {  	_ =	sfence  }
0xb6: {  	s30 =	sld [smem:$0x0];
	_ =	sdelay $0x2  }
0xb7: {  	s31 =	sshll.u32 s1, $0xD;
	s1 =	sshrl.u32 s1, $0x2  }
0xb8: {  	s3 =	sand.u32 $0x4000, s31;
	s1 =	sadd.s32 s1, s30  }
0xb9: {  	s0 =	sor.u32 s3, s0;
	s1 =	sshll.u32 s1, $0x11  }
0xba: {  	s0 =	sor.u32 s1, s0  }
0xbb: {  	s0 =	sadd.s32 $0x8F2B, s0  }
0xbc: {  	[sflag:s0] =	ssyncadd.remote.s32 $0x1  }
0xbd: {  	_ =	sfence.sel $0xFFFF  }
0xbe: {  	[dreg:$0x0] =	wrdreg $0xFFFFFFFF;
	(pc) =	sbr.abs _section_cstart, $3  }
0xbf: {  	[dreg:$0x1] =	wrdreg $0xFFFFFFFF  }
0xc0: {  	_ =	task.clear_ibuf [dreg:s6], $0x2FFFF;
	_ =	strace $0x9FFFFFFF  }
0xc1: {  	(tm) =	ssettm $0x7FFFFFFF  }
tec
execute0_lowered:
.L_overlay_start_1:
0x0: {  	(tag) =	ssettag $0x1  }
0x1: {  	s0 =	srdreg.scid  }
0x2: {  	s2 =	stileid.u32;
	s1 =	rddreg [dreg:$0x0];
	s17 =	simm.s32 $0x3  }
0x3: {  	s15 =	simm.s32 $0x200;
	s28 =	simm.s32 $0x1A00;
	s29 =	simm.s32 $0x2200  }
0x4: {  	s30 =	simm.s32 $0x2A00;
	s31 =	simm.s32 $0x3200;
	s9 =	simm.s32 $0x5200  }
0x5: {  	s10 =	simm.s32 $0x5A00;
	s11 =	simm.s32 $0x6200;
	s12 =	simm.s32 $0x6A00  }
0x6: {  	s13 =	simm.s32 $0x7200;
	s14 =	simm.s32 $0x7A00;
	s16 =	simm.s32 $0x1  }
0x7: {  	s0 =	sand.u32 $0x1, s0;
	s3 =	sshll.u32 s2, $0x1;
	s2 =	simm.s32 $0x0  }
0x8: {  	s5 =	sadd.s32 $0xA1E00, s1;
	s7 =	sadd.s32 $0xE3600, s1;
	s3 =	sor.u32 s0, s3  }
0x9: {  	[smem:$0x7FF] =	sst s2;
	s0 =	ssub.s32 $0x2, s0;
	s4 =	sshll.u32 s3, $0x6  }
0xa: {  	_ =	strace $0x8000004A;
	s6 =	sshll.u32 s3, $0xD;
	s24 =	sshrl.u32 s0, $0x1  }
0xb: {  	s4 =	sadd.s32 s4, s1;
	s3 =	sadd.s32 s5, s6;
	s18 =	sadd.s32 s7, s6  }
0xc: {  	s8 =	sor.u32 $0x800, s6;
	s21 =	sor.u32 $0x1000, s6;
	s6 =	sor.u32 $0x1800, s6  }
0xd: {  	s0 =	ssub.s32 s0, s24;
	s24 =	simm.s32 $0x4200;
	[dreg:$0x3] =	wrdreg s3  }
0xe: {  	s4 =	sadd.s32 $0xE2E00, s4;
	s3 =	sadd.s32 $0x1E00, s1;
	[dreg:$0x4] =	wrdreg s18  }
0xf: {  	s19 =	sadd.s32 s5, s8;
	s20 =	sadd.s32 s7, s8;
	[dreg:$0x2] =	wrdreg s4  }
0x10: {  	s22 =	sadd.s32 s5, s21;
	s23 =	sadd.s32 s7, s21;
	[dreg:$0x5] =	wrdreg s19  }
0x11: {  	s25 =	sadd.s32 s5, s6;
	s26 =	sadd.s32 s7, s6;
	[dreg:$0x6] =	wrdreg s20  }
0x12: {  	s5 =	smax.u32 s0, $0x1;
	s7 =	simm.s32 $0x2;
	[dreg:$0x7] =	wrdreg s22  }
0x13: {  	s18 =	simm.s32 $0x4;
	s8 =	simm.s32 $0x4A00;
	[dreg:$0x8] =	wrdreg s23  }
0x14: {  	v2 =	vlaneseq.u32;
	s0 =	simm.s32 $0x8200;
	[dreg:$0x9] =	wrdreg s25;
	s4 =	sadd.s32 $0x1F00, s1  }
0x15: {  	vm0 =	vmmov $0xffff;
	v1 =	vshrl.u32 v2, $0x3;
	[dreg:$0xa] =	wrdreg s26;
	s19 =	simm.s32 $0x5;
	s20 =	simm.s32 $0x6  }
0x16: {  	v0 =	vand.u32 $0x7, v2;
	v2 =	vor.u32 $0x8, v2;
	v1 =	vmul.u32 $0x8, v1;
	s25 =	simm.s32 $0xA00;
	s26 =	simm.s32 $0x1200;
	s23 =	simm.s32 $0x9A00  }
.LBB2_1:
0x17: {  	s21 =	rddreg [dreg:$0x2];
	s1 =	simm.s32 $0x7  }
0x18: {  	[tilespmem:s2], [sflag:$0x7] =	stream.linear.gather [hbm4b:s21+s2], $0x200, $0x38;
	[tilespmem:$0x10200] =	vst v63  }
0x19: {  	_ =	swait.ge [sflag:s1], $0x200  }
0x1a: {  	[sflag:s1] =	ssyncset.done $0x0  }
0x1b: {  	[sflag:s1] =	ssyncadd.s32 $0xFFFFFE00  }
0x1c: {  	v3 =	vld [tilespmem:$0x0];
	_ =	sdelay $0x4  }
0x1d: {  	v4 =	vshll.u32 v3, $0x2  }
0x1e: {  	v3 =	vand.u32 $0x7, v3;
	v4 =	vand.u32 $0xFFFFFFE0, v4  }
0x1f: {  	v3 =	vor.u32 v3, v4  }
0x20: {  	v4 =	vperm.xlane v3, v0;
	_ =	sdelay $0x1  }
0x21: {  	v4 =	vadd.s32 v1, v4;
	_ =	sdelay $0x1  }
0x22: {  	v3 =	vperm.xlane v3, v2;
	_ =	sdelay $0x1  }
0x23: {  	v3 =	vadd.s32 v1, v3  }
0x24: {  	[tilespmem:s15], [sflag:$0x1] =	stream.indirect_vreg.gather [hbm4b:s3+s2], $0x80, v4, vm0, $0xb8;
	[tilespmem:$0x10200] =	vst v63  }
0x25: {  	_ = 	snop  }
0x26: {  	[tilespmem:s25], [sflag:$0x1] =	stream.indirect_vreg.gather [hbm4b:s4+s2], $0x80, v4, vm0, $0xb8;
	[tilespmem:$0x10200] =	vst v63  }
0x27: {  	_ = 	snop  }
0x28: {  	[tilespmem:s26], [sflag:$0x1] =	stream.indirect_vreg.gather [hbm4b:s3+s2], $0x80, v3, vm0, $0xb8;
	[tilespmem:$0x10200] =	vst v63  }
0x29: {  	_ = 	snop  }
0x2a: {  	[tilespmem:s28], [sflag:$0x1] =	stream.indirect_vreg.gather [hbm4b:s4+s2], $0x80, v3, vm0, $0xb8;
	[tilespmem:$0x10200] =	vst v63  }
0x2b: {  	v3 =	vld [tilespmem:$0x10];
	_ =	sdelay $0x4  }
0x2c: {  	v49 =	vshll.u32 v3, $0x2  }
0x2d: {  	v3 =	vand.u32 $0x7, v3;
	v4 =	vand.u32 $0xFFFFFFE0, v49  }
0x2e: {  	v3 =	vor.u32 v3, v4  }
0x2f: {  	v4 =	vperm.xlane v3, v0;
	_ =	sdelay $0x1  }
0x30: {  	v4 =	vadd.s32 v1, v4;
	_ =	sdelay $0x1  }
0x31: {  	v3 =	vperm.xlane v3, v2;
	_ =	sdelay $0x1  }
0x32: {  	v3 =	vadd.s32 v1, v3  }
0x33: {  	[tilespmem:s29], [sflag:$0x1] =	stream.indirect_vreg.gather [hbm4b:s3+s2], $0x80, v4, vm0, $0xb8;
	[tilespmem:$0x10200] =	vst v63  }
0x34: {  	_ = 	snop  }
0x35: {  	[tilespmem:s30], [sflag:$0x1] =	stream.indirect_vreg.gather [hbm4b:s4+s2], $0x80, v4, vm0, $0xb8;
	[tilespmem:$0x10200] =	vst v63  }
0x36: {  	_ = 	snop  }
0x37: {  	[tilespmem:s31], [sflag:$0x1] =	stream.indirect_vreg.gather [hbm4b:s3+s2], $0x80, v3, vm0, $0xb8;
	[tilespmem:$0x10200] =	vst v63  }
0x38: {  	s1 =	simm.s32 $0x3A00  }
0x39: {  	[tilespmem:s1], [sflag:$0x1] =	stream.indirect_vreg.gather [hbm4b:s4+s2], $0x80, v3, vm0, $0xb8;
	[tilespmem:$0x10200] =	vst v63  }
0x3a: {  	v3 =	vld [tilespmem:$0x20];
	_ =	sdelay $0x4  }
0x3b: {  	v50 =	vshll.u32 v3, $0x2  }
0x3c: {  	v3 =	vand.u32 $0x7, v3;
	v4 =	vand.u32 $0xFFFFFFE0, v50  }
0x3d: {  	v3 =	vor.u32 v3, v4  }
0x3e: {  	v4 =	vperm.xlane v3, v0;
	_ =	sdelay $0x1  }
0x3f: {  	v4 =	vadd.s32 v1, v4;
	_ =	sdelay $0x1  }
0x40: {  	v3 =	vperm.xlane v3, v2;
	_ =	sdelay $0x1  }
0x41: {  	v3 =	vadd.s32 v1, v3  }
0x42: {  	[tilespmem:s24], [sflag:$0x1] =	stream.indirect_vreg.gather [hbm4b:s3+s2], $0x80, v4, vm0, $0xb8;
	[tilespmem:$0x10200] =	vst v63  }
0x43: {  	_ = 	snop  }
0x44: {  	[tilespmem:s8], [sflag:$0x1] =	stream.indirect_vreg.gather [hbm4b:s4+s2], $0x80, v4, vm0, $0xb8;
	[tilespmem:$0x10200] =	vst v63  }
0x45: {  	_ = 	snop  }
0x46: {  	[tilespmem:s9], [sflag:$0x1] =	stream.indirect_vreg.gather [hbm4b:s3+s2], $0x80, v3, vm0, $0xb8;
	[tilespmem:$0x10200] =	vst v63  }
0x47: {  	_ = 	snop  }
0x48: {  	[tilespmem:s10], [sflag:$0x1] =	stream.indirect_vreg.gather [hbm4b:s4+s2], $0x80, v3, vm0, $0xb8;
	[tilespmem:$0x10200] =	vst v63  }
0x49: {  	v3 =	vld [tilespmem:$0x30];
	_ =	sdelay $0x4  }
0x4a: {  	v51 =	vshll.u32 v3, $0x2  }
0x4b: {  	v3 =	vand.u32 $0x7, v3;
	v4 =	vand.u32 $0xFFFFFFE0, v51  }
0x4c: {  	v3 =	vor.u32 v3, v4  }
0x4d: {  	v4 =	vperm.xlane v3, v0;
	_ =	sdelay $0x1  }
0x4e: {  	v4 =	vadd.s32 v1, v4;
	_ =	sdelay $0x1  }
0x4f: {  	v3 =	vperm.xlane v3, v2;
	_ =	sdelay $0x1  }
0x50: {  	v3 =	vadd.s32 v1, v3  }
0x51: {  	[tilespmem:s11], [sflag:$0x1] =	stream.indirect_vreg.gather [hbm4b:s3+s2], $0x80, v4, vm0, $0xb8;
	[tilespmem:$0x10200] =	vst v63  }
0x52: {  	_ = 	snop  }
0x53: {  	[tilespmem:s12], [sflag:$0x1] =	stream.indirect_vreg.gather [hbm4b:s4+s2], $0x80, v4, vm0, $0xb8;
	[tilespmem:$0x10200] =	vst v63  }
0x54: {  	_ = 	snop  }
0x55: {  	[tilespmem:s13], [sflag:$0x1] =	stream.indirect_vreg.gather [hbm4b:s3+s2], $0x80, v3, vm0, $0xb8;
	[tilespmem:$0x10200] =	vst v63  }
0x56: {  	_ = 	snop  }
0x57: {  	[tilespmem:s14], [sflag:$0x1] =	stream.indirect_vreg.gather [hbm4b:s4+s2], $0x80, v3, vm0, $0xb8;
	[tilespmem:$0x10200] =	vst v63  }
0x58: {  	_ =	swait.ge [sflag:s16], $0x8000  }
0x59: {  	[sflag:s16] =	ssyncset.done $0x0  }
0x5a: {  	[sflag:s16] =	ssyncadd.s32 $0xFFFF8000  }
0x5b: {  	v3 =	vld [tilespmem:$0x80];
	_ =	sdelay $0x4  }
0x5c: {  	v52 =	vshll.u32 v3, $0x2  }
0x5d: {  	v3 =	vand.u32 $0x7, v3;
	v4 =	vand.u32 $0xFFFFFFE0, v52  }
0x5e: {  	v3 =	vor.u32 v3, v4  }
0x5f: {  	v4 =	vperm.xlane v3, v0;
	_ =	sdelay $0x1  }
0x60: {  	v4 =	vadd.s32 v1, v4;
	_ =	sdelay $0x1  }
0x61: {  	v3 =	vperm.xlane v3, v2;
	_ =	sdelay $0x1  }
0x62: {  	v3 =	vadd.s32 v1, v3  }
0x63: {  	[tilespmem:s0], [sflag:$0x2] =	stream.indirect_vreg.gather [hbm4b:s3+s2], $0x80, v4, vm0, $0xb8;
	[tilespmem:$0x10200] =	vst v63  }
0x64: {  	s6 =	simm.s32 $0x8A00  }
0x65: {  	[tilespmem:s6], [sflag:$0x2] =	stream.indirect_vreg.gather [hbm4b:s4+s2], $0x80, v4, vm0, $0xb8;
	[tilespmem:$0x10200] =	vst v63  }
0x66: {  	s21 =	simm.s32 $0x9200  }
0x67: {  	[tilespmem:s21], [sflag:$0x2] =	stream.indirect_vreg.gather [hbm4b:s3+s2], $0x80, v3, vm0, $0xb8;
	[tilespmem:$0x10200] =	vst v63  }
0x68: {  	_ = 	snop  }
0x69: {  	[tilespmem:s23], [sflag:$0x2] =	stream.indirect_vreg.gather [hbm4b:s4+s2], $0x80, v3, vm0, $0xb8;
	[tilespmem:$0x10200] =	vst v63  }
0x6a: {  	v3 =	vld [tilespmem:$0x90];
	_ =	sdelay $0x4  }
0x6b: {  	v53 =	vshll.u32 v3, $0x2  }
0x6c: {  	v3 =	vand.u32 $0x7, v3;
	v4 =	vand.u32 $0xFFFFFFE0, v53  }
0x6d: {  	v3 =	vor.u32 v3, v4  }
0x6e: {  	v4 =	vperm.xlane v3, v0;
	_ =	sdelay $0x1  }
0x6f: {  	v4 =	vadd.s32 v1, v4;
	_ =	sdelay $0x1  }
0x70: {  	v3 =	vperm.xlane v3, v2;
	_ =	sdelay $0x1  }
0x71: {  	s22 =	simm.s32 $0xA200;
	v3 =	vadd.s32 v1, v3  }
0x72: {  	[tilespmem:s22], [sflag:$0x2] =	stream.indirect_vreg.gather [hbm4b:s3+s2], $0x80, v4, vm0, $0xb8;
	[tilespmem:$0x10200] =	vst v63  }
0x73: {  	s21 =	simm.s32 $0xAA00  }
0x74: {  	[tilespmem:s21], [sflag:$0x2] =	stream.indirect_vreg.gather [hbm4b:s4+s2], $0x80, v4, vm0, $0xb8;
	[tilespmem:$0x10200] =	vst v63  }
0x75: {  	s22 =	simm.s32 $0xB200  }
0x76: {  	[tilespmem:s22], [sflag:$0x2] =	stream.indirect_vreg.gather [hbm4b:s3+s2], $0x80, v3, vm0, $0xb8;
	[tilespmem:$0x10200] =	vst v63  }
0x77: {  	s21 =	simm.s32 $0xBA00  }
0x78: {  	[tilespmem:s21], [sflag:$0x2] =	stream.indirect_vreg.gather [hbm4b:s4+s2], $0x80, v3, vm0, $0xb8;
	[tilespmem:$0x10200] =	vst v63  }
0x79: {  	v3 =	vld [tilespmem:$0xA0];
	_ =	sdelay $0x4  }
0x7a: {  	v54 =	vshll.u32 v3, $0x2  }
0x7b: {  	v3 =	vand.u32 $0x7, v3;
	v4 =	vand.u32 $0xFFFFFFE0, v54  }
0x7c: {  	v3 =	vor.u32 v3, v4  }
0x7d: {  	v4 =	vperm.xlane v3, v0;
	_ =	sdelay $0x1  }
0x7e: {  	v4 =	vadd.s32 v1, v4;
	_ =	sdelay $0x1  }
0x7f: {  	v3 =	vperm.xlane v3, v2;
	_ =	sdelay $0x1  }
0x80: {  	s6 =	simm.s32 $0xC200;
	v3 =	vadd.s32 v1, v3  }
0x81: {  	[tilespmem:s6], [sflag:$0x2] =	stream.indirect_vreg.gather [hbm4b:s3+s2], $0x80, v4, vm0, $0xb8;
	[tilespmem:$0x10200] =	vst v63  }
0x82: {  	s22 =	simm.s32 $0xCA00  }
0x83: {  	[tilespmem:s22], [sflag:$0x2] =	stream.indirect_vreg.gather [hbm4b:s4+s2], $0x80, v4, vm0, $0xb8;
	[tilespmem:$0x10200] =	vst v63  }
0x84: {  	s22 =	simm.s32 $0xD200  }
0x85: {  	[tilespmem:s22], [sflag:$0x2] =	stream.indirect_vreg.gather [hbm4b:s3+s2], $0x80, v3, vm0, $0xb8;
	[tilespmem:$0x10200] =	vst v63  }
0x86: {  	s22 =	simm.s32 $0xDA00  }
0x87: {  	[tilespmem:s22], [sflag:$0x2] =	stream.indirect_vreg.gather [hbm4b:s4+s2], $0x80, v3, vm0, $0xb8;
	[tilespmem:$0x10200] =	vst v63  }
0x88: {  	v3 =	vld [tilespmem:$0xB0];
	_ =	sdelay $0x4  }
0x89: {  	v55 =	vshll.u32 v3, $0x2  }
0x8a: {  	v3 =	vand.u32 $0x7, v3;
	v4 =	vand.u32 $0xFFFFFFE0, v55  }
0x8b: {  	v3 =	vor.u32 v3, v4  }
0x8c: {  	v4 =	vperm.xlane v3, v0;
	_ =	sdelay $0x1  }
0x8d: {  	v4 =	vadd.s32 v1, v4;
	_ =	sdelay $0x1  }
0x8e: {  	v3 =	vperm.xlane v3, v2;
	_ =	sdelay $0x1  }
0x8f: {  	s22 =	simm.s32 $0xE200;
	v3 =	vadd.s32 v1, v3  }
0x90: {  	[tilespmem:s22], [sflag:$0x2] =	stream.indirect_vreg.gather [hbm4b:s3+s2], $0x80, v4, vm0, $0xb8;
	[tilespmem:$0x10200] =	vst v63  }
0x91: {  	s22 =	simm.s32 $0xEA00  }
0x92: {  	[tilespmem:s22], [sflag:$0x2] =	stream.indirect_vreg.gather [hbm4b:s4+s2], $0x80, v4, vm0, $0xb8;
	[tilespmem:$0x10200] =	vst v63  }
0x93: {  	s22 =	simm.s32 $0xF200  }
0x94: {  	[tilespmem:s22], [sflag:$0x2] =	stream.indirect_vreg.gather [hbm4b:s3+s2], $0x80, v3, vm0, $0xb8;
	[tilespmem:$0x10200] =	vst v63  }
0x95: {  	s22 =	simm.s32 $0xFA00  }
0x96: {  	[tilespmem:s22], [sflag:$0x2] =	stream.indirect_vreg.gather [hbm4b:s4+s2], $0x80, v3, vm0, $0xb8;
	[tilespmem:$0x10200] =	vst v63  }
0x97: {  	s21 =	rddreg [dreg:$0x3]  }
0x98: {  	[hbm4b:s21+s2] =	stream.linear.scatter [tilespmem:s15], [sflag:$0x3], $0x4000, $0x38;
	[tilespmem:$0x10200] =	vst v63  }
0x99: {  	s22 =	rddreg [dreg:$0x4]  }
0x9a: {  	[hbm4b:s22+s2] =	stream.linear.scatter [tilespmem:s24], [sflag:$0x4], $0x4000, $0x38;
	[tilespmem:$0x10200] =	vst v63  }
0x9b: {  	_ =	swait.ge [sflag:s7], $0x8000  }
0x9c: {  	[sflag:s7] =	ssyncset.done $0x0  }
0x9d: {  	[sflag:s7] =	ssyncadd.s32 $0xFFFF8000  }
0x9e: {  	_ =	swait.ge [sflag:s17], $0x4000  }
0x9f: {  	[sflag:s17] =	ssyncset.done $0x0  }
0xa0: {  	[sflag:s17] =	ssyncadd.s32 $0xFFFFC000  }
0xa1: {  	_ =	swait.ge [sflag:s18], $0x4000  }
0xa2: {  	[sflag:s18] =	ssyncset.done $0x0  }
0xa3: {  	[sflag:s18] =	ssyncadd.s32 $0xFFFFC000  }
0xa4: {  	v3 =	vld [tilespmem:$0x100];
	_ =	sdelay $0x4  }
0xa5: {  	v56 =	vshll.u32 v3, $0x2  }
0xa6: {  	v3 =	vand.u32 $0x7, v3;
	v4 =	vand.u32 $0xFFFFFFE0, v56  }
0xa7: {  	v3 =	vor.u32 v3, v4  }
0xa8: {  	v4 =	vperm.xlane v3, v0;
	_ =	sdelay $0x1  }
0xa9: {  	v4 =	vadd.s32 v1, v4;
	_ =	sdelay $0x1  }
0xaa: {  	v3 =	vperm.xlane v3, v2;
	_ =	sdelay $0x1  }
0xab: {  	v3 =	vadd.s32 v1, v3  }
0xac: {  	[tilespmem:s15], [sflag:$0x1] =	stream.indirect_vreg.gather [hbm4b:s3+s2], $0x80, v4, vm0, $0xb8;
	[tilespmem:$0x10200] =	vst v63  }
0xad: {  	_ = 	snop  }
0xae: {  	[tilespmem:s25], [sflag:$0x1] =	stream.indirect_vreg.gather [hbm4b:s4+s2], $0x80, v4, vm0, $0xb8;
	[tilespmem:$0x10200] =	vst v63  }
0xaf: {  	_ = 	snop  }
0xb0: {  	[tilespmem:s26], [sflag:$0x1] =	stream.indirect_vreg.gather [hbm4b:s3+s2], $0x80, v3, vm0, $0xb8;
	[tilespmem:$0x10200] =	vst v63  }
0xb1: {  	_ = 	snop  }
0xb2: {  	[tilespmem:s28], [sflag:$0x1] =	stream.indirect_vreg.gather [hbm4b:s4+s2], $0x80, v3, vm0, $0xb8;
	[tilespmem:$0x10200] =	vst v63  }
0xb3: {  	v3 =	vld [tilespmem:$0x110];
	_ =	sdelay $0x4  }
0xb4: {  	v57 =	vshll.u32 v3, $0x2  }
0xb5: {  	v3 =	vand.u32 $0x7, v3;
	v4 =	vand.u32 $0xFFFFFFE0, v57  }
0xb6: {  	v3 =	vor.u32 v3, v4  }
0xb7: {  	v4 =	vperm.xlane v3, v0;
	_ =	sdelay $0x1  }
0xb8: {  	v4 =	vadd.s32 v1, v4;
	_ =	sdelay $0x1  }
0xb9: {  	v3 =	vperm.xlane v3, v2;
	_ =	sdelay $0x1  }
0xba: {  	v3 =	vadd.s32 v1, v3  }
0xbb: {  	[tilespmem:s29], [sflag:$0x1] =	stream.indirect_vreg.gather [hbm4b:s3+s2], $0x80, v4, vm0, $0xb8;
	[tilespmem:$0x10200] =	vst v63  }
0xbc: {  	_ = 	snop  }
0xbd: {  	[tilespmem:s30], [sflag:$0x1] =	stream.indirect_vreg.gather [hbm4b:s4+s2], $0x80, v4, vm0, $0xb8;
	[tilespmem:$0x10200] =	vst v63  }
0xbe: {  	_ = 	snop  }
0xbf: {  	[tilespmem:s31], [sflag:$0x1] =	stream.indirect_vreg.gather [hbm4b:s3+s2], $0x80, v3, vm0, $0xb8;
	[tilespmem:$0x10200] =	vst v63  }
0xc0: {  	_ = 	snop  }
0xc1: {  	[tilespmem:s1], [sflag:$0x1] =	stream.indirect_vreg.gather [hbm4b:s4+s2], $0x80, v3, vm0, $0xb8;
	[tilespmem:$0x10200] =	vst v63  }
0xc2: {  	v3 =	vld [tilespmem:$0x120];
	_ =	sdelay $0x4  }
0xc3: {  	v58 =	vshll.u32 v3, $0x2  }
0xc4: {  	v3 =	vand.u32 $0x7, v3;
	v4 =	vand.u32 $0xFFFFFFE0, v58  }
0xc5: {  	v3 =	vor.u32 v3, v4  }
0xc6: {  	v4 =	vperm.xlane v3, v0;
	_ =	sdelay $0x1  }
0xc7: {  	v4 =	vadd.s32 v1, v4;
	_ =	sdelay $0x1  }
0xc8: {  	v3 =	vperm.xlane v3, v2;
	_ =	sdelay $0x1  }
0xc9: {  	v3 =	vadd.s32 v1, v3  }
0xca: {  	[tilespmem:s24], [sflag:$0x1] =	stream.indirect_vreg.gather [hbm4b:s3+s2], $0x80, v4, vm0, $0xb8;
	[tilespmem:$0x10200] =	vst v63  }
0xcb: {  	_ = 	snop  }
0xcc: {  	[tilespmem:s8], [sflag:$0x1] =	stream.indirect_vreg.gather [hbm4b:s4+s2], $0x80, v4, vm0, $0xb8;
	[tilespmem:$0x10200] =	vst v63  }
0xcd: {  	_ = 	snop  }
0xce: {  	[tilespmem:s9], [sflag:$0x1] =	stream.indirect_vreg.gather [hbm4b:s3+s2], $0x80, v3, vm0, $0xb8;
	[tilespmem:$0x10200] =	vst v63  }
0xcf: {  	_ = 	snop  }
0xd0: {  	[tilespmem:s10], [sflag:$0x1] =	stream.indirect_vreg.gather [hbm4b:s4+s2], $0x80, v3, vm0, $0xb8;
	[tilespmem:$0x10200] =	vst v63  }
0xd1: {  	v3 =	vld [tilespmem:$0x130];
	_ =	sdelay $0x4  }
0xd2: {  	v59 =	vshll.u32 v3, $0x2  }
0xd3: {  	v3 =	vand.u32 $0x7, v3;
	v4 =	vand.u32 $0xFFFFFFE0, v59  }
0xd4: {  	v3 =	vor.u32 v3, v4  }
0xd5: {  	v4 =	vperm.xlane v3, v0;
	_ =	sdelay $0x1  }
0xd6: {  	v4 =	vadd.s32 v1, v4;
	_ =	sdelay $0x1  }
0xd7: {  	v3 =	vperm.xlane v3, v2;
	_ =	sdelay $0x1  }
0xd8: {  	v3 =	vadd.s32 v1, v3  }
0xd9: {  	[tilespmem:s11], [sflag:$0x1] =	stream.indirect_vreg.gather [hbm4b:s3+s2], $0x80, v4, vm0, $0xb8;
	[tilespmem:$0x10200] =	vst v63  }
0xda: {  	_ = 	snop  }
0xdb: {  	[tilespmem:s12], [sflag:$0x1] =	stream.indirect_vreg.gather [hbm4b:s4+s2], $0x80, v4, vm0, $0xb8;
	[tilespmem:$0x10200] =	vst v63  }
0xdc: {  	_ = 	snop  }
0xdd: {  	[tilespmem:s13], [sflag:$0x1] =	stream.indirect_vreg.gather [hbm4b:s3+s2], $0x80, v3, vm0, $0xb8;
	[tilespmem:$0x10200] =	vst v63  }
0xde: {  	_ = 	snop  }
0xdf: {  	[tilespmem:s14], [sflag:$0x1] =	stream.indirect_vreg.gather [hbm4b:s4+s2], $0x80, v3, vm0, $0xb8;
	[tilespmem:$0x10200] =	vst v63  }
0xe0: {  	s22 =	rddreg [dreg:$0x5]  }
0xe1: {  	[hbm4b:s22+s2] =	stream.linear.scatter [tilespmem:s0], [sflag:$0x5], $0x4000, $0x38;
	[tilespmem:$0x10200] =	vst v63  }
0xe2: {  	s1 =	rddreg [dreg:$0x6]  }
0xe3: {  	[hbm4b:s1+s2] =	stream.linear.scatter [tilespmem:s6], [sflag:$0x6], $0x4000, $0x38;
	[tilespmem:$0x10200] =	vst v63  }
0xe4: {  	_ =	swait.ge [sflag:s16], $0x8000  }
0xe5: {  	[sflag:s16] =	ssyncset.done $0x0  }
0xe6: {  	[sflag:s16] =	ssyncadd.s32 $0xFFFF8000  }
0xe7: {  	_ =	swait.ge [sflag:s19], $0x4000  }
0xe8: {  	[sflag:s19] =	ssyncset.done $0x0  }
0xe9: {  	[sflag:s19] =	ssyncadd.s32 $0xFFFFC000  }
0xea: {  	_ =	swait.ge [sflag:s20], $0x4000  }
0xeb: {  	[sflag:s20] =	ssyncset.done $0x0  }
0xec: {  	[sflag:s20] =	ssyncadd.s32 $0xFFFFC000  }
0xed: {  	v3 =	vld [tilespmem:$0x180];
	_ =	sdelay $0x4  }
0xee: {  	v60 =	vshll.u32 v3, $0x2  }
0xef: {  	v3 =	vand.u32 $0x7, v3;
	v4 =	vand.u32 $0xFFFFFFE0, v60  }
0xf0: {  	v3 =	vor.u32 v3, v4  }
0xf1: {  	v4 =	vperm.xlane v3, v0;
	_ =	sdelay $0x1  }
0xf2: {  	v4 =	vadd.s32 v1, v4;
	_ =	sdelay $0x1  }
0xf3: {  	v3 =	vperm.xlane v3, v2;
	_ =	sdelay $0x1  }
0xf4: {  	v3 =	vadd.s32 v1, v3  }
0xf5: {  	[tilespmem:s0], [sflag:$0x2] =	stream.indirect_vreg.gather [hbm4b:s3+s2], $0x80, v4, vm0, $0xb8;
	[tilespmem:$0x10200] =	vst v63  }
0xf6: {  	s22 =	simm.s32 $0x8A00  }
0xf7: {  	[tilespmem:s22], [sflag:$0x2] =	stream.indirect_vreg.gather [hbm4b:s4+s2], $0x80, v4, vm0, $0xb8;
	[tilespmem:$0x10200] =	vst v63  }
0xf8: {  	s21 =	simm.s32 $0x9200  }
0xf9: {  	[tilespmem:s21], [sflag:$0x2] =	stream.indirect_vreg.gather [hbm4b:s3+s2], $0x80, v3, vm0, $0xb8;
	[tilespmem:$0x10200] =	vst v63  }
0xfa: {  	_ = 	snop  }
0xfb: {  	[tilespmem:s23], [sflag:$0x2] =	stream.indirect_vreg.gather [hbm4b:s4+s2], $0x80, v3, vm0, $0xb8;
	[tilespmem:$0x10200] =	vst v63  }
0xfc: {  	v3 =	vld [tilespmem:$0x190];
	_ =	sdelay $0x4  }
0xfd: {  	v61 =	vshll.u32 v3, $0x2  }
0xfe: {  	v3 =	vand.u32 $0x7, v3;
	v4 =	vand.u32 $0xFFFFFFE0, v61  }
0xff: {  	v3 =	vor.u32 v3, v4  }
0x100: {  	v4 =	vperm.xlane v3, v0;
	_ =	sdelay $0x1  }
0x101: {  	v4 =	vadd.s32 v1, v4;
	_ =	sdelay $0x1  }
0x102: {  	v3 =	vperm.xlane v3, v2;
	_ =	sdelay $0x1  }
0x103: {  	s22 =	simm.s32 $0xA200;
	v3 =	vadd.s32 v1, v3  }
0x104: {  	[tilespmem:s22], [sflag:$0x2] =	stream.indirect_vreg.gather [hbm4b:s3+s2], $0x80, v4, vm0, $0xb8;
	[tilespmem:$0x10200] =	vst v63  }
0x105: {  	s21 =	simm.s32 $0xAA00  }
0x106: {  	[tilespmem:s21], [sflag:$0x2] =	stream.indirect_vreg.gather [hbm4b:s4+s2], $0x80, v4, vm0, $0xb8;
	[tilespmem:$0x10200] =	vst v63  }
0x107: {  	s22 =	simm.s32 $0xB200  }
0x108: {  	[tilespmem:s22], [sflag:$0x2] =	stream.indirect_vreg.gather [hbm4b:s3+s2], $0x80, v3, vm0, $0xb8;
	[tilespmem:$0x10200] =	vst v63  }
0x109: {  	s21 =	simm.s32 $0xBA00  }
0x10a: {  	[tilespmem:s21], [sflag:$0x2] =	stream.indirect_vreg.gather [hbm4b:s4+s2], $0x80, v3, vm0, $0xb8;
	[tilespmem:$0x10200] =	vst v63  }
0x10b: {  	v3 =	vld [tilespmem:$0x1A0];
	_ =	sdelay $0x4  }
0x10c: {  	v62 =	vshll.u32 v3, $0x2  }
0x10d: {  	v3 =	vand.u32 $0x7, v3;
	v4 =	vand.u32 $0xFFFFFFE0, v62  }
0x10e: {  	v3 =	vor.u32 v3, v4  }
0x10f: {  	v4 =	vperm.xlane v3, v0;
	_ =	sdelay $0x1  }
0x110: {  	v4 =	vadd.s32 v1, v4;
	_ =	sdelay $0x1  }
0x111: {  	v3 =	vperm.xlane v3, v2;
	_ =	sdelay $0x1  }
0x112: {  	v3 =	vadd.s32 v1, v3  }
0x113: {  	[tilespmem:s6], [sflag:$0x2] =	stream.indirect_vreg.gather [hbm4b:s3+s2], $0x80, v4, vm0, $0xb8;
	[tilespmem:$0x10200] =	vst v63  }
0x114: {  	s22 =	simm.s32 $0xCA00  }
0x115: {  	[tilespmem:s22], [sflag:$0x2] =	stream.indirect_vreg.gather [hbm4b:s4+s2], $0x80, v4, vm0, $0xb8;
	[tilespmem:$0x10200] =	vst v63  }
0x116: {  	s21 =	simm.s32 $0xD200  }
0x117: {  	[tilespmem:s21], [sflag:$0x2] =	stream.indirect_vreg.gather [hbm4b:s3+s2], $0x80, v3, vm0, $0xb8;
	[tilespmem:$0x10200] =	vst v63  }
0x118: {  	s22 =	simm.s32 $0xDA00  }
0x119: {  	[tilespmem:s22], [sflag:$0x2] =	stream.indirect_vreg.gather [hbm4b:s4+s2], $0x80, v3, vm0, $0xb8;
	[tilespmem:$0x10200] =	vst v63  }
0x11a: {  	v3 =	vld [tilespmem:$0x1B0];
	_ =	sdelay $0x4  }
0x11b: {  	v63 =	vshll.u32 v3, $0x2  }
0x11c: {  	v3 =	vand.u32 $0x7, v3;
	v4 =	vand.u32 $0xFFFFFFE0, v63  }
0x11d: {  	v3 =	vor.u32 v3, v4  }
0x11e: {  	v4 =	vperm.xlane v3, v0;
	_ =	sdelay $0x1  }
0x11f: {  	v4 =	vadd.s32 v1, v4;
	_ =	sdelay $0x1  }
0x120: {  	v3 =	vperm.xlane v3, v2;
	_ =	sdelay $0x1  }
0x121: {  	s21 =	simm.s32 $0xE200;
	v3 =	vadd.s32 v1, v3  }
0x122: {  	[tilespmem:s21], [sflag:$0x2] =	stream.indirect_vreg.gather [hbm4b:s3+s2], $0x80, v4, vm0, $0xb8;
	[tilespmem:$0x10200] =	vst v63  }
0x123: {  	s22 =	simm.s32 $0xEA00  }
0x124: {  	[tilespmem:s22], [sflag:$0x2] =	stream.indirect_vreg.gather [hbm4b:s4+s2], $0x80, v4, vm0, $0xb8;
	[tilespmem:$0x10200] =	vst v63  }
0x125: {  	s21 =	simm.s32 $0xF200  }
0x126: {  	[tilespmem:s21], [sflag:$0x2] =	stream.indirect_vreg.gather [hbm4b:s3+s2], $0x80, v3, vm0, $0xb8;
	[tilespmem:$0x10200] =	vst v63  }
0x127: {  	s22 =	simm.s32 $0xFA00  }
0x128: {  	[tilespmem:s22], [sflag:$0x2] =	stream.indirect_vreg.gather [hbm4b:s4+s2], $0x80, v3, vm0, $0xb8;
	[tilespmem:$0x10200] =	vst v63  }
0x129: {  	s21 =	rddreg [dreg:$0x7]  }
0x12a: {  	[hbm4b:s21+s2] =	stream.linear.scatter [tilespmem:s15], [sflag:$0x3], $0x4000, $0x38;
	[tilespmem:$0x10200] =	vst v63  }
0x12b: {  	s1 =	rddreg [dreg:$0x8]  }
0x12c: {  	[hbm4b:s1+s2] =	stream.linear.scatter [tilespmem:s24], [sflag:$0x4], $0x4000, $0x38;
	[tilespmem:$0x10200] =	vst v63  }
0x12d: {  	_ =	swait.ge [sflag:s7], $0x8000  }
0x12e: {  	[sflag:s7] =	ssyncset.done $0x0  }
0x12f: {  	s22 =	rddreg [dreg:$0x9];
	[sflag:s7] =	ssyncadd.s32 $0xFFFF8000  }
0x130: {  	[hbm4b:s22+s2] =	stream.linear.scatter [tilespmem:s0], [sflag:$0x5], $0x4000, $0x38;
	[tilespmem:$0x10200] =	vst v63  }
0x131: {  	s1 =	rddreg [dreg:$0xa]  }
0x132: {  	[hbm4b:s1+s2] =	stream.linear.scatter [tilespmem:s6], [sflag:$0x6], $0x4000, $0x38;
	[tilespmem:$0x10200] =	vst v63  }
0x133: {  	_ =	swait.ge [sflag:s19], $0x4000  }
0x134: {  	[sflag:s19] =	ssyncset.done $0x0  }
0x135: {  	[sflag:s19] =	ssyncadd.s32 $0xFFFFC000  }
0x136: {  	_ =	swait.ge [sflag:s20], $0x4000  }
0x137: {  	[sflag:s20] =	ssyncset.done $0x0  }
0x138: {  	[sflag:s20] =	ssyncadd.s32 $0xFFFFC000  }
0x139: {  	p0 =	sne.s32 s5, $0x1;
	_ =	swait.ge [sflag:s17], $0x4000  }
.Ltmp0:
0x13a: {  	[sflag:s17] =	ssyncset.done $0x0;
	(pc) =	sbr.rel @p0 .LBB2_1-.Ltmp0, $4  }
0x13b: {  	[sflag:s17] =	ssyncadd.s32 $0xFFFFC000  }
0x13c: {  	_ =	swait.ge [sflag:s18], $0x4000  }
0x13d: {  	[sflag:s18] =	ssyncset.done $0x0  }
0x13e: {  	s5 =	sadd.s32 $0xFFFFFFFF, s5;
	[sflag:s18] =	ssyncadd.s32 $0xFFFFC000  }
0x13f: {  	_ =	sfence.sel $0x180000  }
0x140: {  	[bflag:$0x0] =	sbarrier.arrive $0xFFFF  }
0x141: {  	_ =	strace $0x9000004A  }
0x142: {  	s0 =	stileid.u32;
	[bflag:$0x2] =	sbarrier.arrive $0xFFFF  }
0x143: {  	p0 =	sne.s32 s0, $0x0;
	s0 =	rddreg [dreg:$0x1]  }
0x144: {  	s0 =	sadd.s32 @!p0 $0x100000, s0  }
0x145: {  	[sflag:s0] =	ssyncadd.tile.s32 @!p0 $0x1;
	_ =	shalt  }
.Lfunc_end2:
_tile_overlayer_lowered:
.L_overlay_start_2:
0x146: {  	(tag) =	ssettag $0x2  }
0x147: {  	s0 =	rddreg [dreg:$0x0];
	s2 =	stileid.u32  }
0x148: {  	s1 =	rddreg [dreg:$0x1];
	p0 =	sne.s32 s2, $0x0  }
0x149: {  	s3 =	rddreg [dreg:$0x2];
	[bflag:$0x3] =	sbarrier.arrive $0xFFFF;
	s2 =	simm.s32 @!p0 $0x1C07  }
0x14a: {  	[timem:s3], [sflag:s2] =	dma.local @!p0 [hbm:s0], s1  }
0x14b: {  	s0 =	simm.s32 @!p0 $0x7  }
0x14c: {  	_ =	swait.ge @!p0 [sflag:s0], s1  }
0x14d: {  	s1 =	ssub.s32 @!p0 $0x0, s1;
	[sflag:s0] =	ssyncset.done @!p0 $0x0  }
0x14e: {  	[sflag:s0] =	ssyncadd.s32 @!p0 s1  }
0x14f: {  	[bflag:$0x3] =	sbarrier.arrive $0xFFFF  }
0x150: {  	_ =	shalt  }

// kernel: kernel.7.cloned.1.call-start
scs
__scs_entry_jumppad:
0x0: {  	(pc) =	sbr.rel $0x88, $3  }
0x1: {  	(tag) =	ssettag $0x0;
	lr =	simm.s32 $0x1  }
0x2: {  	[smem:$0x3F9D] =	sst lr;
	_ =	strace $0xD0000000  }
0x3: {  	_ = 	snop  }
0x4: {  	_ = 	snop  }
0x5: {  	_ = 	snop  }
0x6: {  	_ = 	snop  }
0x7: {  	_ = 	snop  }
__scs_overlays_trampoline_lowered:
0x8: {  	[smem:$0x3FAC] =	sst s0  }
0x9: {  	[smem:$0x3FAD] =	sst s1  }
0xa: {  	[smem:$0x3FAE] =	sst s2  }
0xb: {  	[smem:$0x3FAF] =	sst s3  }
0xc: {  	[smem:$0x3FB0] =	sst s4  }
0xd: {  	[smem:$0x3FB1] =	sst s5  }
0xe: {  	[smem:$0x3FB2] =	sst s6  }
0xf: {  	[smem:$0x3FB3] =	sst s7  }
0x10: {  	[smem:$0x3FB4] =	sst s8  }
0x11: {  	[smem:$0x3FB5] =	sst s9;
	s0 =	simm.s32 @!p0 $0x0  }
0x12: {  	s1 =	sld [smem:$0x3F9B];
	s0 =	simm.s32 @p0 $0x1  }
0x13: {  	[smem:$0x3FB6] =	sst s0;
	s0 =	simm.s32 @!p1 $0x0  }
0x14: {  	s2 =	sld [smem:$0x3F9A];
	s0 =	simm.s32 @p1 $0x1  }
0x15: {  	[smem:$0x3FB7] =	sst s0;
	s0 =	simm.s32 @!p2 $0x0  }
0x16: {  	s3 =	sld [smem:$0x3FDB];
	s0 =	simm.s32 @p2 $0x1  }
0x17: {  	s4 =	simm.s32 $0x1BF5;
	[smem:$0x3FB9] =	sst s0  }
0x18: {  	s0 =	sld [smem:$0x3F9C];
	_ =	swait.ge [sflag:s4], $0x0  }
0x19: {  	s7 =	sld [smem:$0x3F9D]  }
0x1a: {  	s8 =	sadd.s32 $0xFFFFE003, lr  }
0x1b: {  	s9 =	sadd.s32 $0xFFFFFEF7, lr;
	s5 =	simm.s32 $0xFFFFFFFF;
	p2 =	slt.u32 s8, $0xFFFFF086  }
0x1c: {  	p1 =	slt.u32 s9, $0xF7A;
	s5 =	simm.s32 @!p2 $0x0  }
0x1d: {  	s5 =	simm.s32 @p1 $0x1;
	p0 =	seq.s32 s7, s2  }
0x1e: {  	s7 =	smul.u32 @!p0 $0xF7A, s2;
	p2 =	seq.s32 @!p0 s5, $0x0  }
0x1f: {  	s9 =	smul.u32 $0xF7A, s1;
	s8 =	simm.s32 @!p0 $0x1BF5;
	p2 =	por !p2, p0  }
0x20: {  	[sflag:s8] =	ssyncset.s32 @!p0 $0xFFFFF086;
	s6 =	sadd.s32 @!p0 s3, s7;
	s7 =	simm.s32 @!p0 $0x108  }
0x21: {  	s3 =	sadd.s32 s3, s9;
	s6 =	sadd.s32 @!p0 $0x88, s6;
	s7 =	simm.s32 @p2 $0x1082  }
0x22: {  	[simem:s7], [sflag:s8] =	dma.local @!p0 [hbm:s6], $0xF7A  }
0x23: {  	s9 =	sor.u32 $0xD0000000, s2;
	s6 =	simm.s32 $0x108;
	_ =	swait.ge @!p0 [sflag:s8], $0x0  }
0x24: {  	s3 =	sadd.s32 $0x88, s3;
	s6 =	simm.s32 @!p1 $0x1082;
	[sflag:s4] =	ssyncset.s32 $0xFFFFF086  }
0x25: {  	[simem:s6], [sflag:s4] =	dma.local [hbm:s3], $0xF7A  }
0x26: {  	[smem:$0x3F9D] =	sst s1;
	(tag) =	ssettag s2;
	_ =	strace s9  }
0x27: {  	s1 =	sld [smem:$0x3FAD]  }
0x28: {  	s2 =	sld [smem:$0x3FAE]  }
0x29: {  	s4 =	sld [smem:$0x3FB0]  }
0x2a: {  	p0 =	seq.s32 s5, $0x0;
	s5 =	sld [smem:$0x3FB1]  }
0x2b: {  	s6 =	sld [smem:$0x3FB2]  }
0x2c: {  	s7 =	sld [smem:$0x3FB3]  }
0x2d: {  	s3 =	simm.s32 $0x108;
	s8 =	sld [smem:$0x3FB4]  }
0x2e: {  	s3 =	simm.s32 @!p0 $0x1082;
	s9 =	sld [smem:$0x3FB5]  }
0x2f: {  	lr =	sadd.s32 s0, s3;
	s0 =	sld [smem:$0x3FAC]  }
0x30: {  	s3 =	sld [smem:$0x3FAF]  }
0x31: {  	[smem:$0x3FB8] =	sst s10  }
0x32: {  	s10 =	sld [smem:$0x3FB6];
	_ =	sdelay $0x3  }
0x33: {  	p0 =	seq.s32 s10, $0x1;
	s10 =	sld [smem:$0x3FB8];
	_ =	sdelay $0x3  }
0x34: {  	[smem:$0x3FB8] =	sst s10  }
0x35: {  	s10 =	sld [smem:$0x3FB7];
	_ =	sdelay $0x3  }
0x36: {  	p1 =	seq.s32 s10, $0x1;
	s10 =	sld [smem:$0x3FB8];
	_ =	sdelay $0x3  }
0x37: {  	[smem:$0x3FB8] =	sst s10  }
0x38: {  	s10 =	sld [smem:$0x3FB9]  }
0x39: {  	_ = 	snop;
	(pc) =	sbr.ind lr, $3  }
0x3a: {  	_ = 	snop  }
0x3b: {  	_ = 	snop  }
0x3c: {  	p2 =	seq.s32 s10, $0x1;
	s10 =	sld [smem:$0x3FB8]  }
0x3d: {  	_ =	shalt  }
0x3e: {  	_ =	shalt  }
0x3f: {  	_ =	shalt  }
0x40: {  	_ =	shalt  }
0x41: {  	_ =	shalt  }
0x42: {  	_ =	shalt  }
0x43: {  	_ =	shalt  }
0x44: {  	_ =	shalt  }
0x45: {  	_ =	shalt  }
0x46: {  	_ =	shalt  }
0x47: {  	_ =	shalt  }
0x48: {  	_ =	shalt  }
0x49: {  	_ =	shalt  }
0x4a: {  	_ =	shalt  }
0x4b: {  	_ =	shalt  }
0x4c: {  	_ =	shalt  }
0x4d: {  	_ =	shalt  }
0x4e: {  	_ =	shalt  }
0x4f: {  	_ =	shalt  }
0x50: {  	_ =	shalt  }
0x51: {  	_ =	shalt  }
0x52: {  	_ =	shalt  }
0x53: {  	_ =	shalt  }
0x54: {  	_ =	shalt  }
0x55: {  	_ =	shalt  }
0x56: {  	_ =	shalt  }
0x57: {  	_ =	shalt  }
0x58: {  	_ =	shalt  }
0x59: {  	_ =	shalt  }
0x5a: {  	_ =	shalt  }
0x5b: {  	_ =	shalt  }
0x5c: {  	_ =	shalt  }
0x5d: {  	_ =	shalt  }
0x5e: {  	_ =	shalt  }
0x5f: {  	_ =	shalt  }
0x60: {  	_ =	shalt  }
0x61: {  	_ =	shalt  }
0x62: {  	_ =	shalt  }
0x63: {  	_ =	shalt  }
0x64: {  	_ =	shalt  }
0x65: {  	_ =	shalt  }
0x66: {  	_ =	shalt  }
0x67: {  	_ =	shalt  }
0x68: {  	_ =	shalt  }
0x69: {  	_ =	shalt  }
0x6a: {  	_ =	shalt  }
0x6b: {  	_ =	shalt  }
0x6c: {  	_ =	shalt  }
0x6d: {  	_ =	shalt  }
0x6e: {  	_ =	shalt  }
0x6f: {  	_ =	shalt  }
0x70: {  	_ =	shalt  }
0x71: {  	_ =	shalt  }
0x72: {  	_ =	shalt  }
0x73: {  	_ =	shalt  }
0x74: {  	_ =	shalt  }
0x75: {  	_ =	shalt  }
0x76: {  	_ =	shalt  }
0x77: {  	_ =	shalt  }
0x78: {  	_ =	shalt  }
0x79: {  	_ =	shalt  }
0x7a: {  	_ =	shalt  }
0x7b: {  	_ =	shalt  }
0x7c: {  	_ =	shalt  }
0x7d: {  	_ =	shalt  }
0x7e: {  	_ =	shalt  }
0x7f: {  	_ =	shalt  }
0x80: {  	_ =	shalt  }
0x81: {  	_ =	shalt  }
0x82: {  	_ =	shalt  }
0x83: {  	_ =	shalt  }
0x84: {  	_ =	shalt  }
0x85: {  	_ =	shalt  }
0x86: {  	_ =	shalt  }
0x87: {  	_ =	shalt  }
.Lfunc_end0:
.L_simem_size_0:
called_computation_lowered:
.L_overlay_start_0:
0x88: {  	s2 =	sld [smem:$0x3FD9]  }
0x89: {  	s3 =	sld [smem:$0x3FFE];
	_ =	sdelay $0x1  }
0x8a: {  	s1 =	srdreg.scid  }
0x8b: {  	s0 =	sand.u32 $0x1, s1  }
0x8c: {  	s16 =	sshll.u32 s0, $0xA;
	s2 =	sadd.s32 s3, s2  }
0x8d: {  	s2 =	sadd.s32 s2, s16  }
0x8e: {  	[smem:$0x3FC4] =	sst s2  }
0x8f: {  	_ = 	snop  }
0x90: {  	(tm) =	ssettm $0x1  }
0x91: {  	s17 =	sld [smem:$0x3FFB];
	_ =	sdelay $0x3  }
0x92: {  	_ =	strace s17  }
0x93: {  	s2 =	sld [smem:$0x3FFC];
	_ =	sdelay $0x3  }
0x94: {  	_ =	strace s2  }
0x95: {  	s2 =	sld [smem:$0x3FFD];
	_ =	sdelay $0x3  }
0x96: {  	_ =	strace s2  }
0x97: {  	_ =	strace $0x8FFFFFFF  }
0x98: {  	s18 =	sld [smem:$0x3FDB];
	_ =	sdelay $0x1  }
0x99: {  	s19 =	simm.s32 $_scs_section_size  }
0x9a: {  	s4 =	simm.s32 $_size__tile_overlayer_lowered;
	s5 =	simm.s32 $_tile_overlayer_lowered  }
0x9b: {  	s22 =	simm.s32 $0x1BFF;
	s21 =	sshll.u32 s5, $0x1;
	s2 =	sadd.s32 s19, s18  }
0x9c: {  	s6 =	simm.s32 $0x0;
	s20 =	sshll.u32 s4, $0x1;
	s4 =	sadd.s32 s21, s2  }
0x9d: {  	[timem:s6], [sflag:s22] =	dma.local [hbm:s4], s20  }
0x9e: {  	_ =	swait.ge [sflag:s22], s20  }
0x9f: {  	s3 =	ssub.s32 $0x0, s20;
	[sflag:s22] =	ssyncset.done $0x0  }
0xa0: {  	[sflag:s22] =	ssyncadd.s32 s3;
	_ =	sdelay $0x1  }
0xa1: {  	s23 =	simm.s32 $0x1B8B  }
0xa2: {  	_ =	swait.ge [sflag:s23], $0x1  }
0xa3: {  	[sflag:s23] =	ssyncset.done $0x0  }
0xa4: {  	s25 =	simm.s32 $0x1B8E;
	s24 =	sld [smem:$0x3FFE];
	[sflag:s23] =	ssyncadd.s32 $0xFFFFFFFF  }
0xa5: {  	s26 =	simm.s32 $execute0_lowered;
	[smem:$0x3FD2] =	sst s25  }
0xa6: {  	s4 =	sshll.u32 s26, $0x1;
	_ =	strace $0x80000046;
	[dreg:$0x1] =	wrdreg $0xFFFFFFFF  }
0xa7: {  	s28 =	simm.s32 $_size_execute0_lowered;
	s2 =	sadd.s32 s2, s4;
	[dreg:$0x0] =	wrdreg $0x0  }
0xa8: {  	s4 =	sshll.u32 s28, $0x1;
	[dreg:$0x2] =	wrdreg s2  }
0xa9: {  	[dreg:$0x3] =	wrdreg s4  }
0xaa: {  	[dreg:$0x4] =	wrdreg $0xC0  }
0xab: {  	_ =	task [dreg:s6], $0x5FFFF  }
0xac: {  	[dreg:$0x1] =	wrdreg $0xFFFFFFFF  }
0xad: {  	[dreg:$0x0] =	wrdreg $0x60  }
0xae: {  	[dreg:$0x2] =	wrdreg s24  }
0xaf: {  	[dreg:$0x3] =	wrdreg $0x9  }
0xb0: {  	_ =	task.clear_ibuf [dreg:s6], $0x4FFFF;
	_ =	strace $0x90000046  }
0xb1: {  	s29 =	simm.s32 $0x9;
	_ =	strace $0x80000048  }
0xb2: {  	_ =	swait.ge [sflag:s29], $0x1  }
0xb3: {  	[sflag:s29] =	ssyncadd.s32 $0xFFFFFFFF  }
0xb4: {  	_ =	strace $0x90000048  }
0xb5: {  	_ =	sfence  }
0xb6: {  	s30 =	sld [smem:$0x0];
	_ =	sdelay $0x2  }
0xb7: {  	s31 =	sshll.u32 s1, $0xD;
	s1 =	sshrl.u32 s1, $0x2  }
0xb8: {  	s3 =	sand.u32 $0x4000, s31;
	s1 =	sadd.s32 s1, s30  }
0xb9: {  	s0 =	sor.u32 s3, s0;
	s1 =	sshll.u32 s1, $0x11  }
0xba: {  	s0 =	sor.u32 s1, s0  }
0xbb: {  	s0 =	sadd.s32 $0x8F2B, s0  }
0xbc: {  	[sflag:s0] =	ssyncadd.remote.s32 $0x1  }
0xbd: {  	_ =	sfence.sel $0xFFFF  }
0xbe: {  	[dreg:$0x0] =	wrdreg $0xFFFFFFFF;
	(pc) =	sbr.abs _section_cstart, $3  }
0xbf: {  	[dreg:$0x1] =	wrdreg $0xFFFFFFFF  }
0xc0: {  	_ =	task.clear_ibuf [dreg:s6], $0x2FFFF;
	_ =	strace $0x9FFFFFFF  }
0xc1: {  	(tm) =	ssettm $0x7FFFFFFF  }
tec
execute0_lowered:
.L_overlay_start_1:
0x0: {  	(tag) =	ssettag $0x1  }
0x1: {  	s1 =	srdreg.scid  }
0x2: {  	s0 =	stileid.u32;
	s5 =	rddreg [dreg:$0x0];
	s2 =	simm.s32 $0x0  }
0x3: {  	s9 =	simm.s32 $0x7;
	s10 =	simm.s32 $0x400;
	s11 =	simm.s32 $0x1  }
0x4: {  	s12 =	simm.s32 $0x4400;
	s13 =	simm.s32 $0xC00;
	s14 =	simm.s32 $0x1400  }
0x5: {  	s15 =	simm.s32 $0x1C00;
	s16 =	simm.s32 $0x2400;
	s17 =	simm.s32 $0x2C00  }
0x6: {  	s18 =	simm.s32 $0x3400;
	s19 =	simm.s32 $0x3C00;
	s20 =	simm.s32 $0x2  }
0x7: {  	s21 =	simm.s32 $0x3;
	s22 =	simm.s32 $0x4;
	s23 =	simm.s32 $0x4C00  }
0x8: {  	s24 =	simm.s32 $0x5400;
	s28 =	simm.s32 $0x6C00;
	s29 =	simm.s32 $0x7400  }
0x9: {  	s30 =	simm.s32 $0x7C00;
	s1 =	sand.u32 $0x1, s1;
	s3 =	sshll.u32 s0, $0x1  }
0xa: {  	s31 =	simm.s32 $0x5;
	[smem:$0x7FF] =	sst s2;
	s3 =	sor.u32 s1, s3  }
0xb: {  	_ =	strace $0x80000047;
	s1 =	ssub.s32 $0x2, s1;
	s4 =	sshll.u32 s3, $0xD  }
0xc: {  	s3 =	sshll.u32 s3, $0x7;
	s6 =	sshrl.u32 s1, $0x1;
	s7 =	sadd.s32 s4, s5  }
0xd: {  	s25 =	sadd.s32 s3, s5;
	s3 =	sadd.s32 $0x42E00, s5;
	s1 =	ssub.s32 s1, s6  }
0xe: {  	s5 =	sadd.s32 $0x42F00, s5;
	s4 =	sadd.s32 $0x41E00, s25;
	s26 =	sadd.s32 $0x1E00, s7  }
0xf: {  	v2 =	vlaneseq.u32;
	s6 =	sadd.s32 $0x2E00, s7;
	s8 =	smax.u32 s1, $0x1;
	[dreg:$0x2] =	wrdreg s4  }
0x10: {  	vm0 =	vmmov $0xffff;
	v1 =	vshrl.u32 v2, $0x3;
	s25 =	simm.s32 $0x5C00;
	s1 =	simm.s32 $0x6;
	[dreg:$0x3] =	wrdreg s26  }
0x11: {  	v0 =	vand.u32 $0x7, v2;
	v2 =	vor.u32 $0x8, v2;
	v1 =	vmul.u32 $0x8, v1;
	s4 =	sadd.s32 $0x2600, s7;
	s7 =	sadd.s32 $0x3600, s7;
	s26 =	simm.s32 $0x6400  }
.LBB2_1:
0x12: {  	s0 =	rddreg [dreg:$0x2]  }
0x13: {  	[tilespmem:s2], [sflag:$0x7] =	stream.linear.gather [hbm4b:s0+s2], $0x400, $0x38;
	[tilespmem:$0x8400] =	vst v63  }
0x14: {  	_ =	swait.ge [sflag:s9], $0x400  }
0x15: {  	[sflag:s9] =	ssyncset.done $0x0  }
0x16: {  	s0 =	rddreg [dreg:$0x3];
	[sflag:s9] =	ssyncadd.s32 $0xFFFFFC00  }
0x17: {  	[tilespmem:s10], [sflag:$0x1] =	stream.linear.gather [hbm4b:s0+s2], $0x4000, $0x38;
	[tilespmem:$0x8400] =	vst v63  }
0x18: {  	_ =	swait.ge [sflag:s11], $0x4000  }
0x19: {  	[sflag:s11] =	ssyncset.done $0x0  }
0x1a: {  	[sflag:s11] =	ssyncadd.s32 $0xFFFFC000  }
0x1b: {  	[tilespmem:s12], [sflag:$0x2] =	stream.linear.gather [hbm4b:s4+s2], $0x4000, $0x38;
	[tilespmem:$0x8400] =	vst v63  }
0x1c: {  	v3 =	vld [tilespmem:$0x0];
	_ =	sdelay $0x4  }
0x1d: {  	v4 =	vshll.u32 v3, $0x2  }
0x1e: {  	v3 =	vand.u32 $0x7, v3;
	v4 =	vand.u32 $0xFFFFFFE0, v4  }
0x1f: {  	v3 =	vor.u32 v3, v4  }
0x20: {  	v4 =	vperm.xlane v3, v0;
	_ =	sdelay $0x1  }
0x21: {  	v4 =	vadd.s32 v1, v4;
	_ =	sdelay $0x1  }
0x22: {  	v3 =	vperm.xlane v3, v2;
	_ =	sdelay $0x1  }
0x23: {  	v3 =	vadd.s32 v1, v3  }
0x24: {  	[hbm4b:s3+s2] =	stream.indirect_vreg.scatter [tilespmem:s10], [sflag:$0x3], $0x80, v4, vm0, $0xb8;
	[tilespmem:$0x8400] =	vst v63  }
0x25: {  	_ = 	snop  }
0x26: {  	[hbm4b:s5+s2] =	stream.indirect_vreg.scatter [tilespmem:s13], [sflag:$0x3], $0x80, v4, vm0, $0xb8;
	[tilespmem:$0x8400] =	vst v63  }
0x27: {  	_ = 	snop  }
0x28: {  	[hbm4b:s3+s2] =	stream.indirect_vreg.scatter [tilespmem:s14], [sflag:$0x3], $0x80, v3, vm0, $0xb8;
	[tilespmem:$0x8400] =	vst v63  }
0x29: {  	_ = 	snop  }
0x2a: {  	[hbm4b:s5+s2] =	stream.indirect_vreg.scatter [tilespmem:s15], [sflag:$0x3], $0x80, v3, vm0, $0xb8;
	[tilespmem:$0x8400] =	vst v63  }
0x2b: {  	v3 =	vld [tilespmem:$0x10];
	_ =	sdelay $0x4  }
0x2c: {  	v49 =	vshll.u32 v3, $0x2  }
0x2d: {  	v3 =	vand.u32 $0x7, v3;
	v4 =	vand.u32 $0xFFFFFFE0, v49  }
0x2e: {  	v3 =	vor.u32 v3, v4  }
0x2f: {  	v4 =	vperm.xlane v3, v0;
	_ =	sdelay $0x1  }
0x30: {  	v4 =	vadd.s32 v1, v4;
	_ =	sdelay $0x1  }
0x31: {  	v3 =	vperm.xlane v3, v2;
	_ =	sdelay $0x1  }
0x32: {  	v3 =	vadd.s32 v1, v3  }
0x33: {  	[hbm4b:s3+s2] =	stream.indirect_vreg.scatter [tilespmem:s16], [sflag:$0x3], $0x80, v4, vm0, $0xb8;
	[tilespmem:$0x8400] =	vst v63  }
0x34: {  	_ = 	snop  }
0x35: {  	[hbm4b:s5+s2] =	stream.indirect_vreg.scatter [tilespmem:s17], [sflag:$0x3], $0x80, v4, vm0, $0xb8;
	[tilespmem:$0x8400] =	vst v63  }
0x36: {  	_ = 	snop  }
0x37: {  	[hbm4b:s3+s2] =	stream.indirect_vreg.scatter [tilespmem:s18], [sflag:$0x3], $0x80, v3, vm0, $0xb8;
	[tilespmem:$0x8400] =	vst v63  }
0x38: {  	_ = 	snop  }
0x39: {  	[hbm4b:s5+s2] =	stream.indirect_vreg.scatter [tilespmem:s19], [sflag:$0x3], $0x80, v3, vm0, $0xb8;
	[tilespmem:$0x8400] =	vst v63  }
0x3a: {  	v3 =	vld [tilespmem:$0x80];
	_ =	sdelay $0x4  }
0x3b: {  	v50 =	vshll.u32 v3, $0x2  }
0x3c: {  	v3 =	vand.u32 $0x7, v3;
	v4 =	vand.u32 $0xFFFFFFE0, v50  }
0x3d: {  	v3 =	vor.u32 v3, v4  }
0x3e: {  	v4 =	vperm.xlane v3, v0;
	_ =	sdelay $0x1  }
0x3f: {  	v4 =	vadd.s32 v1, v4;
	_ =	sdelay $0x1  }
0x40: {  	v3 =	vperm.xlane v3, v2;
	_ =	sdelay $0x1  }
0x41: {  	v3 =	vadd.s32 v1, v3  }
0x42: {  	[hbm4b:s3+s2] =	stream.indirect_vreg.scatter [tilespmem:s10], [sflag:$0x4], $0x80, v4, vm0, $0xb8;
	[tilespmem:$0x8400] =	vst v63  }
0x43: {  	_ = 	snop  }
0x44: {  	[hbm4b:s5+s2] =	stream.indirect_vreg.scatter [tilespmem:s13], [sflag:$0x4], $0x80, v4, vm0, $0xb8;
	[tilespmem:$0x8400] =	vst v63  }
0x45: {  	_ = 	snop  }
0x46: {  	[hbm4b:s3+s2] =	stream.indirect_vreg.scatter [tilespmem:s14], [sflag:$0x4], $0x80, v3, vm0, $0xb8;
	[tilespmem:$0x8400] =	vst v63  }
0x47: {  	_ = 	snop  }
0x48: {  	[hbm4b:s5+s2] =	stream.indirect_vreg.scatter [tilespmem:s15], [sflag:$0x4], $0x80, v3, vm0, $0xb8;
	[tilespmem:$0x8400] =	vst v63  }
0x49: {  	v3 =	vld [tilespmem:$0x90];
	_ =	sdelay $0x4  }
0x4a: {  	v51 =	vshll.u32 v3, $0x2  }
0x4b: {  	v3 =	vand.u32 $0x7, v3;
	v4 =	vand.u32 $0xFFFFFFE0, v51  }
0x4c: {  	v3 =	vor.u32 v3, v4  }
0x4d: {  	v4 =	vperm.xlane v3, v0;
	_ =	sdelay $0x1  }
0x4e: {  	v4 =	vadd.s32 v1, v4;
	_ =	sdelay $0x1  }
0x4f: {  	v3 =	vperm.xlane v3, v2;
	_ =	sdelay $0x1  }
0x50: {  	v3 =	vadd.s32 v1, v3  }
0x51: {  	[hbm4b:s3+s2] =	stream.indirect_vreg.scatter [tilespmem:s16], [sflag:$0x4], $0x80, v4, vm0, $0xb8;
	[tilespmem:$0x8400] =	vst v63  }
0x52: {  	_ = 	snop  }
0x53: {  	[hbm4b:s5+s2] =	stream.indirect_vreg.scatter [tilespmem:s17], [sflag:$0x4], $0x80, v4, vm0, $0xb8;
	[tilespmem:$0x8400] =	vst v63  }
0x54: {  	_ = 	snop  }
0x55: {  	[hbm4b:s3+s2] =	stream.indirect_vreg.scatter [tilespmem:s18], [sflag:$0x4], $0x80, v3, vm0, $0xb8;
	[tilespmem:$0x8400] =	vst v63  }
0x56: {  	_ = 	snop  }
0x57: {  	[hbm4b:s5+s2] =	stream.indirect_vreg.scatter [tilespmem:s19], [sflag:$0x4], $0x80, v3, vm0, $0xb8;
	[tilespmem:$0x8400] =	vst v63  }
0x58: {  	_ =	swait.ge [sflag:s20], $0x4000  }
0x59: {  	[sflag:s20] =	ssyncset.done $0x0  }
0x5a: {  	[sflag:s20] =	ssyncadd.s32 $0xFFFFC000  }
0x5b: {  	_ =	swait.ge [sflag:s21], $0x4000  }
0x5c: {  	[sflag:s21] =	ssyncset.done $0x0  }
0x5d: {  	[sflag:s21] =	ssyncadd.s32 $0xFFFFC000  }
0x5e: {  	_ =	swait.ge [sflag:s22], $0x4000  }
0x5f: {  	[sflag:s22] =	ssyncset.done $0x0  }
0x60: {  	[sflag:s22] =	ssyncadd.s32 $0xFFFFC000  }
0x61: {  	[tilespmem:s10], [sflag:$0x1] =	stream.linear.gather [hbm4b:s6+s2], $0x4000, $0x38;
	[tilespmem:$0x8400] =	vst v63  }
0x62: {  	v3 =	vld [tilespmem:$0x100];
	_ =	sdelay $0x4  }
0x63: {  	v52 =	vshll.u32 v3, $0x2  }
0x64: {  	v3 =	vand.u32 $0x7, v3;
	v4 =	vand.u32 $0xFFFFFFE0, v52  }
0x65: {  	v3 =	vor.u32 v3, v4  }
0x66: {  	v4 =	vperm.xlane v3, v0;
	_ =	sdelay $0x1  }
0x67: {  	v4 =	vadd.s32 v1, v4;
	_ =	sdelay $0x1  }
0x68: {  	v3 =	vperm.xlane v3, v2;
	_ =	sdelay $0x1  }
0x69: {  	v3 =	vadd.s32 v1, v3  }
0x6a: {  	[hbm4b:s3+s2] =	stream.indirect_vreg.scatter [tilespmem:s12], [sflag:$0x5], $0x80, v4, vm0, $0xb8;
	[tilespmem:$0x8400] =	vst v63  }
0x6b: {  	_ = 	snop  }
0x6c: {  	[hbm4b:s5+s2] =	stream.indirect_vreg.scatter [tilespmem:s23], [sflag:$0x5], $0x80, v4, vm0, $0xb8;
	[tilespmem:$0x8400] =	vst v63  }
0x6d: {  	_ = 	snop  }
0x6e: {  	[hbm4b:s3+s2] =	stream.indirect_vreg.scatter [tilespmem:s24], [sflag:$0x5], $0x80, v3, vm0, $0xb8;
	[tilespmem:$0x8400] =	vst v63  }
0x6f: {  	_ = 	snop  }
0x70: {  	[hbm4b:s5+s2] =	stream.indirect_vreg.scatter [tilespmem:s25], [sflag:$0x5], $0x80, v3, vm0, $0xb8;
	[tilespmem:$0x8400] =	vst v63  }
0x71: {  	v3 =	vld [tilespmem:$0x110];
	_ =	sdelay $0x4  }
0x72: {  	v53 =	vshll.u32 v3, $0x2  }
0x73: {  	v3 =	vand.u32 $0x7, v3;
	v4 =	vand.u32 $0xFFFFFFE0, v53  }
0x74: {  	v3 =	vor.u32 v3, v4  }
0x75: {  	v4 =	vperm.xlane v3, v0;
	_ =	sdelay $0x1  }
0x76: {  	v4 =	vadd.s32 v1, v4;
	_ =	sdelay $0x1  }
0x77: {  	v3 =	vperm.xlane v3, v2;
	_ =	sdelay $0x1  }
0x78: {  	v3 =	vadd.s32 v1, v3  }
0x79: {  	[hbm4b:s3+s2] =	stream.indirect_vreg.scatter [tilespmem:s26], [sflag:$0x5], $0x80, v4, vm0, $0xb8;
	[tilespmem:$0x8400] =	vst v63  }
0x7a: {  	_ = 	snop  }
0x7b: {  	[hbm4b:s5+s2] =	stream.indirect_vreg.scatter [tilespmem:s28], [sflag:$0x5], $0x80, v4, vm0, $0xb8;
	[tilespmem:$0x8400] =	vst v63  }
0x7c: {  	_ = 	snop  }
0x7d: {  	[hbm4b:s3+s2] =	stream.indirect_vreg.scatter [tilespmem:s29], [sflag:$0x5], $0x80, v3, vm0, $0xb8;
	[tilespmem:$0x8400] =	vst v63  }
0x7e: {  	_ = 	snop  }
0x7f: {  	[hbm4b:s5+s2] =	stream.indirect_vreg.scatter [tilespmem:s30], [sflag:$0x5], $0x80, v3, vm0, $0xb8;
	[tilespmem:$0x8400] =	vst v63  }
0x80: {  	v3 =	vld [tilespmem:$0x180];
	_ =	sdelay $0x4  }
0x81: {  	v54 =	vshll.u32 v3, $0x2  }
0x82: {  	v3 =	vand.u32 $0x7, v3;
	v4 =	vand.u32 $0xFFFFFFE0, v54  }
0x83: {  	v3 =	vor.u32 v3, v4  }
0x84: {  	v4 =	vperm.xlane v3, v0;
	_ =	sdelay $0x1  }
0x85: {  	v4 =	vadd.s32 v1, v4;
	_ =	sdelay $0x1  }
0x86: {  	v3 =	vperm.xlane v3, v2;
	_ =	sdelay $0x1  }
0x87: {  	v3 =	vadd.s32 v1, v3  }
0x88: {  	[hbm4b:s3+s2] =	stream.indirect_vreg.scatter [tilespmem:s12], [sflag:$0x6], $0x80, v4, vm0, $0xb8;
	[tilespmem:$0x8400] =	vst v63  }
0x89: {  	_ = 	snop  }
0x8a: {  	[hbm4b:s5+s2] =	stream.indirect_vreg.scatter [tilespmem:s23], [sflag:$0x6], $0x80, v4, vm0, $0xb8;
	[tilespmem:$0x8400] =	vst v63  }
0x8b: {  	_ = 	snop  }
0x8c: {  	[hbm4b:s3+s2] =	stream.indirect_vreg.scatter [tilespmem:s24], [sflag:$0x6], $0x80, v3, vm0, $0xb8;
	[tilespmem:$0x8400] =	vst v63  }
0x8d: {  	_ = 	snop  }
0x8e: {  	[hbm4b:s5+s2] =	stream.indirect_vreg.scatter [tilespmem:s25], [sflag:$0x6], $0x80, v3, vm0, $0xb8;
	[tilespmem:$0x8400] =	vst v63  }
0x8f: {  	v3 =	vld [tilespmem:$0x190];
	_ =	sdelay $0x4  }
0x90: {  	v55 =	vshll.u32 v3, $0x2  }
0x91: {  	v3 =	vand.u32 $0x7, v3;
	v4 =	vand.u32 $0xFFFFFFE0, v55  }
0x92: {  	v3 =	vor.u32 v3, v4  }
0x93: {  	v4 =	vperm.xlane v3, v0;
	_ =	sdelay $0x1  }
0x94: {  	v4 =	vadd.s32 v1, v4;
	_ =	sdelay $0x1  }
0x95: {  	v3 =	vperm.xlane v3, v2;
	_ =	sdelay $0x1  }
0x96: {  	v3 =	vadd.s32 v1, v3  }
0x97: {  	[hbm4b:s3+s2] =	stream.indirect_vreg.scatter [tilespmem:s26], [sflag:$0x6], $0x80, v4, vm0, $0xb8;
	[tilespmem:$0x8400] =	vst v63  }
0x98: {  	_ = 	snop  }
0x99: {  	[hbm4b:s5+s2] =	stream.indirect_vreg.scatter [tilespmem:s28], [sflag:$0x6], $0x80, v4, vm0, $0xb8;
	[tilespmem:$0x8400] =	vst v63  }
0x9a: {  	_ = 	snop  }
0x9b: {  	[hbm4b:s3+s2] =	stream.indirect_vreg.scatter [tilespmem:s29], [sflag:$0x6], $0x80, v3, vm0, $0xb8;
	[tilespmem:$0x8400] =	vst v63  }
0x9c: {  	_ = 	snop  }
0x9d: {  	[hbm4b:s5+s2] =	stream.indirect_vreg.scatter [tilespmem:s30], [sflag:$0x6], $0x80, v3, vm0, $0xb8;
	[tilespmem:$0x8400] =	vst v63  }
0x9e: {  	_ =	swait.ge [sflag:s11], $0x4000  }
0x9f: {  	[sflag:s11] =	ssyncset.done $0x0  }
0xa0: {  	[sflag:s11] =	ssyncadd.s32 $0xFFFFC000  }
0xa1: {  	_ =	swait.ge [sflag:s31], $0x4000  }
0xa2: {  	[sflag:s31] =	ssyncset.done $0x0  }
0xa3: {  	[sflag:s31] =	ssyncadd.s32 $0xFFFFC000  }
0xa4: {  	_ =	swait.ge [sflag:s1], $0x4000  }
0xa5: {  	[sflag:s1] =	ssyncset.done $0x0  }
0xa6: {  	[sflag:s1] =	ssyncadd.s32 $0xFFFFC000  }
0xa7: {  	[tilespmem:s12], [sflag:$0x2] =	stream.linear.gather [hbm4b:s7+s2], $0x4000, $0x38;
	[tilespmem:$0x8400] =	vst v63  }
0xa8: {  	v3 =	vld [tilespmem:$0x200];
	_ =	sdelay $0x4  }
0xa9: {  	v56 =	vshll.u32 v3, $0x2  }
0xaa: {  	v3 =	vand.u32 $0x7, v3;
	v4 =	vand.u32 $0xFFFFFFE0, v56  }
0xab: {  	v3 =	vor.u32 v3, v4  }
0xac: {  	v4 =	vperm.xlane v3, v0;
	_ =	sdelay $0x1  }
0xad: {  	v4 =	vadd.s32 v1, v4;
	_ =	sdelay $0x1  }
0xae: {  	v3 =	vperm.xlane v3, v2;
	_ =	sdelay $0x1  }
0xaf: {  	v3 =	vadd.s32 v1, v3  }
0xb0: {  	[hbm4b:s3+s2] =	stream.indirect_vreg.scatter [tilespmem:s10], [sflag:$0x3], $0x80, v4, vm0, $0xb8;
	[tilespmem:$0x8400] =	vst v63  }
0xb1: {  	_ = 	snop  }
0xb2: {  	[hbm4b:s5+s2] =	stream.indirect_vreg.scatter [tilespmem:s13], [sflag:$0x3], $0x80, v4, vm0, $0xb8;
	[tilespmem:$0x8400] =	vst v63  }
0xb3: {  	_ = 	snop  }
0xb4: {  	[hbm4b:s3+s2] =	stream.indirect_vreg.scatter [tilespmem:s14], [sflag:$0x3], $0x80, v3, vm0, $0xb8;
	[tilespmem:$0x8400] =	vst v63  }
0xb5: {  	_ = 	snop  }
0xb6: {  	[hbm4b:s5+s2] =	stream.indirect_vreg.scatter [tilespmem:s15], [sflag:$0x3], $0x80, v3, vm0, $0xb8;
	[tilespmem:$0x8400] =	vst v63  }
0xb7: {  	v3 =	vld [tilespmem:$0x210];
	_ =	sdelay $0x4  }
0xb8: {  	v57 =	vshll.u32 v3, $0x2  }
0xb9: {  	v3 =	vand.u32 $0x7, v3;
	v4 =	vand.u32 $0xFFFFFFE0, v57  }
0xba: {  	v3 =	vor.u32 v3, v4  }
0xbb: {  	v4 =	vperm.xlane v3, v0;
	_ =	sdelay $0x1  }
0xbc: {  	v4 =	vadd.s32 v1, v4;
	_ =	sdelay $0x1  }
0xbd: {  	v3 =	vperm.xlane v3, v2;
	_ =	sdelay $0x1  }
0xbe: {  	v3 =	vadd.s32 v1, v3  }
0xbf: {  	[hbm4b:s3+s2] =	stream.indirect_vreg.scatter [tilespmem:s16], [sflag:$0x3], $0x80, v4, vm0, $0xb8;
	[tilespmem:$0x8400] =	vst v63  }
0xc0: {  	_ = 	snop  }
0xc1: {  	[hbm4b:s5+s2] =	stream.indirect_vreg.scatter [tilespmem:s17], [sflag:$0x3], $0x80, v4, vm0, $0xb8;
	[tilespmem:$0x8400] =	vst v63  }
0xc2: {  	_ = 	snop  }
0xc3: {  	[hbm4b:s3+s2] =	stream.indirect_vreg.scatter [tilespmem:s18], [sflag:$0x3], $0x80, v3, vm0, $0xb8;
	[tilespmem:$0x8400] =	vst v63  }
0xc4: {  	_ = 	snop  }
0xc5: {  	[hbm4b:s5+s2] =	stream.indirect_vreg.scatter [tilespmem:s19], [sflag:$0x3], $0x80, v3, vm0, $0xb8;
	[tilespmem:$0x8400] =	vst v63  }
0xc6: {  	v3 =	vld [tilespmem:$0x280];
	_ =	sdelay $0x4  }
0xc7: {  	v58 =	vshll.u32 v3, $0x2  }
0xc8: {  	v3 =	vand.u32 $0x7, v3;
	v4 =	vand.u32 $0xFFFFFFE0, v58  }
0xc9: {  	v3 =	vor.u32 v3, v4  }
0xca: {  	v4 =	vperm.xlane v3, v0;
	_ =	sdelay $0x1  }
0xcb: {  	v4 =	vadd.s32 v1, v4;
	_ =	sdelay $0x1  }
0xcc: {  	v3 =	vperm.xlane v3, v2;
	_ =	sdelay $0x1  }
0xcd: {  	v3 =	vadd.s32 v1, v3  }
0xce: {  	[hbm4b:s3+s2] =	stream.indirect_vreg.scatter [tilespmem:s10], [sflag:$0x4], $0x80, v4, vm0, $0xb8;
	[tilespmem:$0x8400] =	vst v63  }
0xcf: {  	_ = 	snop  }
0xd0: {  	[hbm4b:s5+s2] =	stream.indirect_vreg.scatter [tilespmem:s13], [sflag:$0x4], $0x80, v4, vm0, $0xb8;
	[tilespmem:$0x8400] =	vst v63  }
0xd1: {  	_ = 	snop  }
0xd2: {  	[hbm4b:s3+s2] =	stream.indirect_vreg.scatter [tilespmem:s14], [sflag:$0x4], $0x80, v3, vm0, $0xb8;
	[tilespmem:$0x8400] =	vst v63  }
0xd3: {  	_ = 	snop  }
0xd4: {  	[hbm4b:s5+s2] =	stream.indirect_vreg.scatter [tilespmem:s15], [sflag:$0x4], $0x80, v3, vm0, $0xb8;
	[tilespmem:$0x8400] =	vst v63  }
0xd5: {  	v3 =	vld [tilespmem:$0x290];
	_ =	sdelay $0x4  }
0xd6: {  	v59 =	vshll.u32 v3, $0x2  }
0xd7: {  	v3 =	vand.u32 $0x7, v3;
	v4 =	vand.u32 $0xFFFFFFE0, v59  }
0xd8: {  	v3 =	vor.u32 v3, v4  }
0xd9: {  	v4 =	vperm.xlane v3, v0;
	_ =	sdelay $0x1  }
0xda: {  	v4 =	vadd.s32 v1, v4;
	_ =	sdelay $0x1  }
0xdb: {  	v3 =	vperm.xlane v3, v2;
	_ =	sdelay $0x1  }
0xdc: {  	v3 =	vadd.s32 v1, v3  }
0xdd: {  	[hbm4b:s3+s2] =	stream.indirect_vreg.scatter [tilespmem:s16], [sflag:$0x4], $0x80, v4, vm0, $0xb8;
	[tilespmem:$0x8400] =	vst v63  }
0xde: {  	_ = 	snop  }
0xdf: {  	[hbm4b:s5+s2] =	stream.indirect_vreg.scatter [tilespmem:s17], [sflag:$0x4], $0x80, v4, vm0, $0xb8;
	[tilespmem:$0x8400] =	vst v63  }
0xe0: {  	_ = 	snop  }
0xe1: {  	[hbm4b:s3+s2] =	stream.indirect_vreg.scatter [tilespmem:s18], [sflag:$0x4], $0x80, v3, vm0, $0xb8;
	[tilespmem:$0x8400] =	vst v63  }
0xe2: {  	_ = 	snop  }
0xe3: {  	[hbm4b:s5+s2] =	stream.indirect_vreg.scatter [tilespmem:s19], [sflag:$0x4], $0x80, v3, vm0, $0xb8;
	[tilespmem:$0x8400] =	vst v63  }
0xe4: {  	_ =	swait.ge [sflag:s20], $0x4000  }
0xe5: {  	[sflag:s20] =	ssyncset.done $0x0  }
0xe6: {  	[sflag:s20] =	ssyncadd.s32 $0xFFFFC000  }
0xe7: {  	v3 =	vld [tilespmem:$0x300];
	_ =	sdelay $0x4  }
0xe8: {  	v60 =	vshll.u32 v3, $0x2  }
0xe9: {  	v3 =	vand.u32 $0x7, v3;
	v4 =	vand.u32 $0xFFFFFFE0, v60  }
0xea: {  	v3 =	vor.u32 v3, v4  }
0xeb: {  	v4 =	vperm.xlane v3, v0;
	_ =	sdelay $0x1  }
0xec: {  	v4 =	vadd.s32 v1, v4;
	_ =	sdelay $0x1  }
0xed: {  	v3 =	vperm.xlane v3, v2;
	_ =	sdelay $0x1  }
0xee: {  	v3 =	vadd.s32 v1, v3  }
0xef: {  	[hbm4b:s3+s2] =	stream.indirect_vreg.scatter [tilespmem:s12], [sflag:$0x5], $0x80, v4, vm0, $0xb8;
	[tilespmem:$0x8400] =	vst v63  }
0xf0: {  	_ = 	snop  }
0xf1: {  	[hbm4b:s5+s2] =	stream.indirect_vreg.scatter [tilespmem:s23], [sflag:$0x5], $0x80, v4, vm0, $0xb8;
	[tilespmem:$0x8400] =	vst v63  }
0xf2: {  	_ = 	snop  }
0xf3: {  	[hbm4b:s3+s2] =	stream.indirect_vreg.scatter [tilespmem:s24], [sflag:$0x5], $0x80, v3, vm0, $0xb8;
	[tilespmem:$0x8400] =	vst v63  }
0xf4: {  	_ = 	snop  }
0xf5: {  	[hbm4b:s5+s2] =	stream.indirect_vreg.scatter [tilespmem:s25], [sflag:$0x5], $0x80, v3, vm0, $0xb8;
	[tilespmem:$0x8400] =	vst v63  }
0xf6: {  	v3 =	vld [tilespmem:$0x310];
	_ =	sdelay $0x4  }
0xf7: {  	v61 =	vshll.u32 v3, $0x2  }
0xf8: {  	v3 =	vand.u32 $0x7, v3;
	v4 =	vand.u32 $0xFFFFFFE0, v61  }
0xf9: {  	v3 =	vor.u32 v3, v4  }
0xfa: {  	v4 =	vperm.xlane v3, v0;
	_ =	sdelay $0x1  }
0xfb: {  	v4 =	vadd.s32 v1, v4;
	_ =	sdelay $0x1  }
0xfc: {  	v3 =	vperm.xlane v3, v2;
	_ =	sdelay $0x1  }
0xfd: {  	v3 =	vadd.s32 v1, v3  }
0xfe: {  	[hbm4b:s3+s2] =	stream.indirect_vreg.scatter [tilespmem:s26], [sflag:$0x5], $0x80, v4, vm0, $0xb8;
	[tilespmem:$0x8400] =	vst v63  }
0xff: {  	_ = 	snop  }
0x100: {  	[hbm4b:s5+s2] =	stream.indirect_vreg.scatter [tilespmem:s28], [sflag:$0x5], $0x80, v4, vm0, $0xb8;
	[tilespmem:$0x8400] =	vst v63  }
0x101: {  	_ = 	snop  }
0x102: {  	[hbm4b:s3+s2] =	stream.indirect_vreg.scatter [tilespmem:s29], [sflag:$0x5], $0x80, v3, vm0, $0xb8;
	[tilespmem:$0x8400] =	vst v63  }
0x103: {  	_ = 	snop  }
0x104: {  	[hbm4b:s5+s2] =	stream.indirect_vreg.scatter [tilespmem:s30], [sflag:$0x5], $0x80, v3, vm0, $0xb8;
	[tilespmem:$0x8400] =	vst v63  }
0x105: {  	v3 =	vld [tilespmem:$0x380];
	_ =	sdelay $0x4  }
0x106: {  	v62 =	vshll.u32 v3, $0x2  }
0x107: {  	v3 =	vand.u32 $0x7, v3;
	v4 =	vand.u32 $0xFFFFFFE0, v62  }
0x108: {  	v3 =	vor.u32 v3, v4  }
0x109: {  	v4 =	vperm.xlane v3, v0;
	_ =	sdelay $0x1  }
0x10a: {  	v4 =	vadd.s32 v1, v4;
	_ =	sdelay $0x1  }
0x10b: {  	v3 =	vperm.xlane v3, v2;
	_ =	sdelay $0x1  }
0x10c: {  	v3 =	vadd.s32 v1, v3  }
0x10d: {  	[hbm4b:s3+s2] =	stream.indirect_vreg.scatter [tilespmem:s12], [sflag:$0x6], $0x80, v4, vm0, $0xb8;
	[tilespmem:$0x8400] =	vst v63  }
0x10e: {  	_ = 	snop  }
0x10f: {  	[hbm4b:s5+s2] =	stream.indirect_vreg.scatter [tilespmem:s23], [sflag:$0x6], $0x80, v4, vm0, $0xb8;
	[tilespmem:$0x8400] =	vst v63  }
0x110: {  	_ = 	snop  }
0x111: {  	[hbm4b:s3+s2] =	stream.indirect_vreg.scatter [tilespmem:s24], [sflag:$0x6], $0x80, v3, vm0, $0xb8;
	[tilespmem:$0x8400] =	vst v63  }
0x112: {  	_ = 	snop  }
0x113: {  	[hbm4b:s5+s2] =	stream.indirect_vreg.scatter [tilespmem:s25], [sflag:$0x6], $0x80, v3, vm0, $0xb8;
	[tilespmem:$0x8400] =	vst v63  }
0x114: {  	v3 =	vld [tilespmem:$0x390];
	_ =	sdelay $0x4  }
0x115: {  	v63 =	vshll.u32 v3, $0x2  }
0x116: {  	v3 =	vand.u32 $0x7, v3;
	v4 =	vand.u32 $0xFFFFFFE0, v63  }
0x117: {  	v3 =	vor.u32 v3, v4  }
0x118: {  	v4 =	vperm.xlane v3, v0;
	_ =	sdelay $0x1  }
0x119: {  	v4 =	vadd.s32 v1, v4;
	_ =	sdelay $0x1  }
0x11a: {  	v3 =	vperm.xlane v3, v2;
	_ =	sdelay $0x1  }
0x11b: {  	v3 =	vadd.s32 v1, v3  }
0x11c: {  	[hbm4b:s3+s2] =	stream.indirect_vreg.scatter [tilespmem:s26], [sflag:$0x6], $0x80, v4, vm0, $0xb8;
	[tilespmem:$0x8400] =	vst v63  }
0x11d: {  	_ = 	snop  }
0x11e: {  	[hbm4b:s5+s2] =	stream.indirect_vreg.scatter [tilespmem:s28], [sflag:$0x6], $0x80, v4, vm0, $0xb8;
	[tilespmem:$0x8400] =	vst v63  }
0x11f: {  	_ = 	snop  }
0x120: {  	[hbm4b:s3+s2] =	stream.indirect_vreg.scatter [tilespmem:s29], [sflag:$0x6], $0x80, v3, vm0, $0xb8;
	[tilespmem:$0x8400] =	vst v63  }
0x121: {  	_ = 	snop  }
0x122: {  	[hbm4b:s5+s2] =	stream.indirect_vreg.scatter [tilespmem:s30], [sflag:$0x6], $0x80, v3, vm0, $0xb8;
	[tilespmem:$0x8400] =	vst v63  }
0x123: {  	_ =	swait.ge [sflag:s31], $0x4000  }
0x124: {  	[sflag:s31] =	ssyncset.done $0x0  }
0x125: {  	[sflag:s31] =	ssyncadd.s32 $0xFFFFC000  }
0x126: {  	_ =	swait.ge [sflag:s1], $0x4000  }
0x127: {  	[sflag:s1] =	ssyncset.done $0x0  }
0x128: {  	[sflag:s1] =	ssyncadd.s32 $0xFFFFC000  }
0x129: {  	p0 =	sne.s32 s8, $0x1;
	_ =	swait.ge [sflag:s21], $0x4000  }
.Ltmp0:
0x12a: {  	[sflag:s21] =	ssyncset.done $0x0;
	(pc) =	sbr.rel @p0 .LBB2_1-.Ltmp0, $4  }
0x12b: {  	[sflag:s21] =	ssyncadd.s32 $0xFFFFC000  }
0x12c: {  	_ =	swait.ge [sflag:s22], $0x4000  }
0x12d: {  	[sflag:s22] =	ssyncset.done $0x0  }
0x12e: {  	s8 =	sadd.s32 $0xFFFFFFFF, s8;
	[sflag:s22] =	ssyncadd.s32 $0xFFFFC000  }
0x12f: {  	_ =	sfence.sel $0x180000  }
0x130: {  	[bflag:$0x0] =	sbarrier.arrive $0xFFFF  }
0x131: {  	_ =	strace $0x90000047  }
0x132: {  	s0 =	stileid.u32;
	[bflag:$0x2] =	sbarrier.arrive $0xFFFF  }
0x133: {  	p0 =	sne.s32 s0, $0x0;
	s0 =	rddreg [dreg:$0x1]  }
0x134: {  	s0 =	sadd.s32 @!p0 $0x100000, s0  }
0x135: {  	[sflag:s0] =	ssyncadd.tile.s32 @!p0 $0x1;
	_ =	shalt  }
.Lfunc_end2:
_tile_overlayer_lowered:
.L_overlay_start_2:
0x136: {  	(tag) =	ssettag $0x2  }
0x137: {  	s0 =	rddreg [dreg:$0x0];
	s2 =	stileid.u32  }
0x138: {  	s1 =	rddreg [dreg:$0x1];
	p0 =	sne.s32 s2, $0x0  }
0x139: {  	s3 =	rddreg [dreg:$0x2];
	[bflag:$0x3] =	sbarrier.arrive $0xFFFF;
	s2 =	simm.s32 @!p0 $0x1C07  }
0x13a: {  	[timem:s3], [sflag:s2] =	dma.local @!p0 [hbm:s0], s1  }
0x13b: {  	s0 =	simm.s32 @!p0 $0x7  }
0x13c: {  	_ =	swait.ge @!p0 [sflag:s0], s1  }
0x13d: {  	s1 =	ssub.s32 @!p0 $0x0, s1;
	[sflag:s0] =	ssyncset.done @!p0 $0x0  }
0x13e: {  	[sflag:s0] =	ssyncadd.s32 @!p0 s1  }
0x13f: {  	[bflag:$0x3] =	sbarrier.arrive $0xFFFF  }
0x140: {  	_ =	shalt  }

</sc_bundles>
